<compile_context>
chip_gen: v7x
topology: tpu7x:2x2x1
jax: 0.10.2.dev20260603
libtpu: 0.0.44.dev20260713+nightly
codegen_flags: <defaults>
</compile_context>

<pallas_src>
import functools

import jax
import jax.numpy as jnp
from jax import lax
from jax.experimental import pallas as pl
from jax.experimental.pallas import tpu as pltpu
from jax.experimental.pallas import tpu_sc as plsc

N = 10000
E = 320000
D = 128
DH = 8
DE = 16

NC = 2
NS = 16
NW = NC * NS
LANES = 16

EDGES_PER_TILE = E // NW
CHUNK = 80
NCHUNKS = EDGES_PER_TILE // CHUNK
NPAD = 10240
ROWS_PER_TILE = NPAD // NS
ZROWS = 128


def _leaky(x):
    return jnp.where(x > 0, x, 0.01 * x)



def _bn_leaky_body(x_ref, g_ref, b_ref, o_ref):
    x = x_ref[...]
    m = jnp.mean(x, axis=0, keepdims=True)
    v = jnp.mean((x - m) ** 2, axis=0, keepdims=True)
    o_ref[...] = _leaky((x - m) / jnp.sqrt(v + 1e-5) * g_ref[...] + b_ref[...])


def _bn_leaky(x, g, b):
    return pl.pallas_call(
        _bn_leaky_body,
        out_shape=jax.ShapeDtypeStruct((N, D), jnp.float32),
    )(x, g.reshape(1, D), b.reshape(1, D))


BLK_E = 3200


def _edge_w_body(ea_ref, wa_ref, ba_ref, wb_ref, bb_ref, o_ref):
    h = _leaky(
        jnp.dot(ea_ref[...], wa_ref[...], preferred_element_type=jnp.float32)
        + ba_ref[...]
    )
    z = (
        jnp.dot(h, wb_ref[...], preferred_element_type=jnp.float32)
        + bb_ref[...]
    )
    o_ref[...] = jnp.where(z > 0, z, jnp.exp(z) - 1.0)


def _edge_weights(edge_attr, Wea, bea, Web, beb):
    grid = (E // BLK_E,)
    return pl.pallas_call(
        _edge_w_body,
        grid=grid,
        in_specs=[
            pl.BlockSpec((BLK_E, DE), lambda i: (i, 0)),
            pl.BlockSpec((DE, DH), lambda i: (0, 0)),
            pl.BlockSpec((1, DH), lambda i: (0, 0)),
            pl.BlockSpec((DH, D), lambda i: (0, 0)),
            pl.BlockSpec((1, D), lambda i: (0, 0)),
        ],
        out_specs=pl.BlockSpec((BLK_E, D), lambda i: (i, 0)),
        out_shape=jax.ShapeDtypeStruct((E, D), jnp.float32),
    )(edge_attr, Wea.T, bea.reshape(1, DH), Web.T, beb.reshape(1, D))


def _mlp_bn_body(p_ref, h_ref, wa_ref, ba_ref, wb_ref, bb_ref, g_ref, b_ref,
                 o_ref):
    s = p_ref[:N, :] + p_ref[NPAD:NPAD + N, :] + h_ref[...]
    t = _leaky(
        jnp.dot(s, wa_ref[...], preferred_element_type=jnp.float32)
        + ba_ref[...]
    )
    u = (
        jnp.dot(t, wb_ref[...], preferred_element_type=jnp.float32)
        + bb_ref[...]
    )
    m = jnp.mean(u, axis=0, keepdims=True)
    v = jnp.mean((u - m) ** 2, axis=0, keepdims=True)
    o_ref[...] = _leaky((u - m) / jnp.sqrt(v + 1e-5) * g_ref[...] + b_ref[...])


def _mlp_bn(p, h, Wa, ba, Wb, bb, g, b):
    return pl.pallas_call(
        _mlp_bn_body,
        out_shape=jax.ShapeDtypeStruct((N, D), jnp.float32),
    )(p, h, Wa.T, ba.reshape(1, D), Wb.T, bb.reshape(1, D),
      g.reshape(1, D), b.reshape(1, D))


def _mlp_skip_body(p_ref, h_ref, wa_ref, ba_ref, wb_ref, bb_ref, skip_ref,
                   o_ref):
    s = p_ref[:N, :] + p_ref[NPAD:NPAD + N, :] + h_ref[...]
    t = _leaky(
        jnp.dot(s, wa_ref[...], preferred_element_type=jnp.float32)
        + ba_ref[...]
    )
    o_ref[...] = (
        jnp.dot(t, wb_ref[...], preferred_element_type=jnp.float32)
        + bb_ref[...]
        + skip_ref[...]
    )


def _mlp_skip(p, h, Wa, ba, Wb, bb, skip):
    return pl.pallas_call(
        _mlp_skip_body,
        out_shape=jax.ShapeDtypeStruct((N, D), jnp.float32),
    )(p, h, Wa.T, ba.reshape(1, D), Wb.T, bb.reshape(1, D), skip)



def _sc_body(h_hbm, w_hbm, src_hbm, dst_hbm, out_hbm,
             src_v, dst_v, h_rows, w_rows, zbuf, agg_sh, sem):
    core = lax.axis_index("c")
    sid = lax.axis_index("s")
    wid = sid * NC + core

    def zero_row(r, _):
        for j in range(D // LANES):
            zbuf[r, pl.ds(j * LANES, LANES)] = jnp.zeros(
                (LANES,), jnp.float32)
        return 0

    lax.fori_loop(0, ZROWS, zero_row, 0)
    for t in range(ROWS_PER_TILE // ZROWS):
        pltpu.sync_copy(
            zbuf, agg_sh.at[pl.ds(sid * ROWS_PER_TILE + t * ZROWS, ZROWS), :])
    plsc.subcore_barrier()

    base_e = wid * EDGES_PER_TILE

    def chunk_body(k, _):
        off = base_e + k * CHUNK
        pltpu.sync_copy(src_hbm.at[pl.ds(off, CHUNK)], src_v)
        pltpu.sync_copy(dst_hbm.at[pl.ds(off, CHUNK)], dst_v)
        pltpu.async_copy(h_hbm.at[src_v], h_rows, sem).wait()
        pltpu.sync_copy(w_hbm.at[pl.ds(off, CHUNK), :], w_rows)

        def mul_row(e, _):
            for j in range(D // LANES):
                sl = pl.ds(j * LANES, LANES)
                w_rows[e, sl] = w_rows[e, sl] * h_rows[e, sl]
            return 0

        lax.fori_loop(0, CHUNK, mul_row, 0)
        pltpu.sync_copy(w_rows, agg_sh.at[dst_v], add=True)
        return 0

    lax.fori_loop(0, NCHUNKS, chunk_body, 0)
    plsc.subcore_barrier()

    pltpu.sync_copy(
        agg_sh.at[pl.ds(sid * ROWS_PER_TILE, ROWS_PER_TILE), :],
        out_hbm.at[pl.ds(core * NPAD + sid * ROWS_PER_TILE, ROWS_PER_TILE), :])


_sc_msgpass = pl.kernel(
    _sc_body,
    out_type=jax.ShapeDtypeStruct((NC * NPAD, D), jnp.float32),
    mesh=plsc.VectorSubcoreMesh(core_axis_name="c", subcore_axis_name="s"),
    scratch_types=[
        pltpu.VMEM((CHUNK,), jnp.int32),
        pltpu.VMEM((CHUNK,), jnp.int32),
        pltpu.VMEM((CHUNK, D), jnp.float32),
        pltpu.VMEM((CHUNK, D), jnp.float32),
        pltpu.VMEM((ZROWS, D), jnp.float32),
        pltpu.VMEM_SHARED((NPAD, D), jnp.float32),
        pltpu.SemaphoreType.DMA,
    ],
)



def kernel(x, edge_index, edge_attr, g1, b1, g2, b2, We1a, be1a, We1b, be1b,
           W1a, bb1a, W1b, bb1b, We2a, be2a, We2b, be2b, W2a, bb2a, W2b,
           bb2b):
    src = edge_index[0]
    dst = edge_index[1]

    h1 = _bn_leaky(x, g1, b1)
    w1 = _edge_weights(edge_attr, We1a, be1a, We1b, be1b)
    p1 = _sc_msgpass(h1, w1, src, dst)
    h2 = _mlp_bn(p1, h1, W1a, bb1a, W1b, bb1b, g2, b2)
    w2 = _edge_weights(edge_attr, We2a, be2a, We2b, be2b)
    p2 = _sc_msgpass(h2, w2, src, dst)
    return _mlp_skip(p2, h2, W2a, bb2a, W2b, bb2b, x)

# --- scband reference (transcript-rebuilt; emitter-appended) ---
"""Pipeline reference for scband-residual-block-23682449670676 (READ-ONLY COPY).

The authoritative reference and input builder live on the scoring server;
editing this copy changes nothing except your own understanding.
"""

import jax, jax.numpy as jnp
import numpy as np

N = 10000
E = 320000
D = 128
DE = 16
DH = 8

def _leaky(x):
    return jnp.where(x > 0, x, 0.01 * x)

def _elu(x):
    return jnp.where(x > 0, x, jnp.exp(x) - 1.0)

def _bn(x, g, b):
    m = jnp.mean(x, axis=0)
    v = jnp.var(x, axis=0)
    return (x - m) / jnp.sqrt(v + 1e-5) * g + b


def setup_inputs(seed: int = 0):
    key = jax.random.key(seed)
    ks = jax.random.split(key, 24)
    inp = {}
    inp['x'] = jax.random.normal(ks[0], (N, D), dtype=jnp.float32)
    inp['edge_index'] = jax.random.randint(ks[1], (2, E), 0, N, dtype=jnp.int32)
    inp['edge_attr'] = jax.random.normal(ks[2], (E, DE), dtype=jnp.float32)
    # BatchNorm params
    inp['g1'] = jnp.ones((D,), dtype=jnp.float32)
    inp['b1'] = jnp.zeros((D,), dtype=jnp.float32)
    inp['g2'] = jnp.ones((D,), dtype=jnp.float32)
    inp['b2'] = jnp.zeros((D,), dtype=jnp.float32)
    # conv1 edge_transformer: Linear(16,8) -> LeakyReLU -> Linear(8,128) -> ELU
    inp['We1a'] = jax.random.normal(ks[3], (DH, DE), dtype=jnp.float32) * (1.0 / np.sqrt(DE))
    inp['be1a'] = jnp.zeros((DH,), dtype=jnp.float32)
    inp['We1b'] = jax.random.normal(ks[4], (D, DH), dtype=jnp.float32) * (1.0 / np.sqrt(DH))
    inp['be1b'] = jnp.zeros((D,), dtype=jnp.float32)
    # conv1 nn: Linear(128,128) -> LeakyReLU -> Linear(128,128)
    inp['W1a'] = jax.random.normal(ks[5], (D, D), dtype=jnp.float32) * (1.0 / np.sqrt(D))
    inp['bb1a'] = jnp.zeros((D,), dtype=jnp.float32)
    inp['W1b'] = jax.random.normal(ks[6], (D, D), dtype=jnp.float32) * (1.0 / np.sqrt(D))
    inp['bb1b'] = jnp.zeros((D,), dtype=jnp.float32)
    # conv2 edge_transformer
    inp['We2a'] = jax.random.normal(ks[7], (DH, DE), dtype=jnp.float32) * (1.0 / np.sqrt(DE))
    inp['be2a'] = jnp.zeros((DH,), dtype=jnp.float32)
    inp['We2b'] = jax.random.normal(ks[8], (D, DH), dtype=jnp.float32) * (1.0 / np.sqrt(DH))
    inp['be2b'] = jnp.zeros((D,), dtype=jnp.float32)
    # conv2 nn
    inp['W2a'] = jax.random.normal(ks[9], (D, D), dtype=jnp.float32) * (1.0 / np.sqrt(D))
    inp['bb2a'] = jnp.zeros((D,), dtype=jnp.float32)
    inp['W2b'] = jax.random.normal(ks[10], (D, D), dtype=jnp.float32) * (1.0 / np.sqrt(D))
    inp['bb2b'] = jnp.zeros((D,), dtype=jnp.float32)
    return inp


def _gin_conv(h, src, dst, edge_attr, Wea, bea, Web, beb, Wa, ba, Wb, bb):
    # edge_transformer(edge_attr)
    w = _elu(_leaky(edge_attr @ Wea.T + bea) @ Web.T + beb)
    # message: x_j * weight; aggregate: scatter-add onto dst
    msg = jnp.take(h, src, axis=0) * w
    agg = jnp.zeros_like(h).at[dst].add(msg)
    # train_eps=False -> eps=0, out += (1+eps)*x_r
    out = agg + h
    # nn: Linear -> LeakyReLU -> Linear
    return _leaky(out @ Wa.T + ba) @ Wb.T + bb


def reference(x, edge_index, edge_attr, g1, b1, g2, b2, We1a, be1a, We1b, be1b, W1a, bb1a, W1b, bb1b, We2a, be2a, We2b, be2b, W2a, bb2a, W2b, bb2b):
    src = edge_index[0]
    dst = edge_index[1]
    x_skip = x
    h = _leaky(_bn(x, g1, b1))
    h = _gin_conv(h, src, dst, edge_attr, We1a, be1a, We1b, be1b, W1a, bb1a, W1b, bb1b)
    h = _leaky(_bn(h, g2, b2))
    h = _gin_conv(h, src, dst, edge_attr, We2a, be2a, We2b, be2b, W2a, bb2a, W2b, bb2b)
    return h + x_skip

if __name__ == "__main__":
    import jax
    _d = setup_inputs()
    print(jax.jit(kernel)(*tuple(_d.values())))

</pallas_src>

<mosaic_0001>
#map = affine_map<(d0, d1) -> (0, 0)>
#map1 = affine_map<(d0, d1) -> (0)>
module attributes {stable_mosaic.version = 14 : i64} {
  func.func @_sc_body(%arg0: i32, %arg1: i32, %arg2: memref<10000x128xf32, #tpu.memory_space<hbm>>, %arg3: memref<320000x128xf32, #tpu.memory_space<hbm>>, %arg4: memref<320000xi32, #tpu.memory_space<hbm>>, %arg5: memref<320000xi32, #tpu.memory_space<hbm>>, %arg6: memref<20480x128xf32, #tpu.memory_space<hbm>>, %arg7: memref<80xi32, #tpu.memory_space<vmem>>, %arg8: memref<80xi32, #tpu.memory_space<vmem>>, %arg9: memref<80x128xf32, #tpu.memory_space<vmem>>, %arg10: memref<80x128xf32, #tpu.memory_space<vmem>>, %arg11: memref<128x128xf32, #tpu.memory_space<vmem>>, %arg12: memref<10240x128xf32, #tpu.memory_space<vmem_shared>>, %arg13: memref<!tpu.dma_semaphore, #tpu.memory_space<semaphore_mem>>) attributes {dimension_semantics = [#tpu.dimension_semantics<core_parallel>, #tpu.dimension_semantics<subcore_parallel>], iteration_bounds = array<i64: 2, 16>, scalar_prefetch = 0 : i64, scratch_operands = 7 : i64, tpu.core_type = #tpu.core_type<sc_vector_subcore>, window_params = [{transform_indices = #map}, {transform_indices = #map}, {transform_indices = #map1}, {transform_indices = #map1}, {transform_indices = #map}]} {
    %mul3A = arith.constant 2 : i32
    %mul3A_0 = arith.muli %arg1, %mul3A : i32
    %add3A = arith.addi %mul3A_0, %arg0 : i32
    %scan3A = arith.constant 0 : i32
    %scan3A_1 = arith.constant 0 : i32
    %scan3A_2 = arith.constant 128 : i32
    %scan3A_3 = arith.addi %scan3A_1, %scan3A_2 : i32
    %scan3A_4 = arith.constant 1 : i32
    %scan3A_5 = scf.for %scan3A_44 = %scan3A_1 to %scan3A_3 step %scan3A_4 iter_args(%scan3A_45 = %scan3A) -> (i32)  : i32 {
      %broadcast_in_dim3A = arith.constant 0.000000e+00 : f32
      %broadcast_in_dim3A_46 = vector.broadcast %broadcast_in_dim3A : f32 to vector<16xf32>
      %swap3A = arith.index_cast %scan3A_44 : i32 to index
      %swap3A_47 = arith.constant 0 : index
      %swap3A_48 = tpu.vector_load %arg11[%swap3A, %swap3A_47] {strides = array<i32>} : memref<128x128xf32, #tpu.memory_space<vmem>>, vector<1x16xf32>,
      %swap3A_49 = vector.shape_cast %swap3A_48 : vector<1x16xf32> to vector<16xf32>
      %swap3A_50 = vector.shape_cast %broadcast_in_dim3A_46 : vector<16xf32> to vector<1x16xf32>
      tpu.vector_store %arg11[%swap3A, %swap3A_47], %swap3A_50 {strides = array<i32>} : memref<128x128xf32, #tpu.memory_space<vmem>>, vector<1x16xf32>,
      %broadcast_in_dim3A_51 = arith.constant 0.000000e+00 : f32
      %broadcast_in_dim3A_52 = vector.broadcast %broadcast_in_dim3A_51 : f32 to vector<16xf32>
      %swap3A_53 = arith.index_cast %scan3A_44 : i32 to index
      %swap3A_54 = arith.constant 16 : index
      %swap3A_55 = tpu.vector_load %arg11[%swap3A_53, %swap3A_54] {strides = array<i32>} : memref<128x128xf32, #tpu.memory_space<vmem>>, vector<1x16xf32>,
      %swap3A_56 = vector.shape_cast %swap3A_55 : vector<1x16xf32> to vector<16xf32>
      %swap3A_57 = vector.shape_cast %broadcast_in_dim3A_52 : vector<16xf32> to vector<1x16xf32>
      tpu.vector_store %arg11[%swap3A_53, %swap3A_54], %swap3A_57 {strides = array<i32>} : memref<128x128xf32, #tpu.memory_space<vmem>>, vector<1x16xf32>,
      %broadcast_in_dim3A_58 = arith.constant 0.000000e+00 : f32
      %broadcast_in_dim3A_59 = vector.broadcast %broadcast_in_dim3A_58 : f32 to vector<16xf32>
      %swap3A_60 = arith.index_cast %scan3A_44 : i32 to index
      %swap3A_61 = arith.constant 32 : index
      %swap3A_62 = tpu.vector_load %arg11[%swap3A_60, %swap3A_61] {strides = array<i32>} : memref<128x128xf32, #tpu.memory_space<vmem>>, vector<1x16xf32>,
      %swap3A_63 = vector.shape_cast %swap3A_62 : vector<1x16xf32> to vector<16xf32>
      %swap3A_64 = vector.shape_cast %broadcast_in_dim3A_59 : vector<16xf32> to vector<1x16xf32>
      tpu.vector_store %arg11[%swap3A_60, %swap3A_61], %swap3A_64 {strides = array<i32>} : memref<128x128xf32, #tpu.memory_space<vmem>>, vector<1x16xf32>,
      %broadcast_in_dim3A_65 = arith.constant 0.000000e+00 : f32
      %broadcast_in_dim3A_66 = vector.broadcast %broadcast_in_dim3A_65 : f32 to vector<16xf32>
      %swap3A_67 = arith.index_cast %scan3A_44 : i32 to index
      %swap3A_68 = arith.constant 48 : index
      %swap3A_69 = tpu.vector_load %arg11[%swap3A_67, %swap3A_68] {strides = array<i32>} : memref<128x128xf32, #tpu.memory_space<vmem>>, vector<1x16xf32>,
      %swap3A_70 = vector.shape_cast %swap3A_69 : vector<1x16xf32> to vector<16xf32>
      %swap3A_71 = vector.shape_cast %broadcast_in_dim3A_66 : vector<16xf32> to vector<1x16xf32>
      tpu.vector_store %arg11[%swap3A_67, %swap3A_68], %swap3A_71 {strides = array<i32>} : memref<128x128xf32, #tpu.memory_space<vmem>>, vector<1x16xf32>,
      %broadcast_in_dim3A_72 = arith.constant 0.000000e+00 : f32
      %broadcast_in_dim3A_73 = vector.broadcast %broadcast_in_dim3A_72 : f32 to vector<16xf32>
      %swap3A_74 = arith.index_cast %scan3A_44 : i32 to index
      %swap3A_75 = arith.constant 64 : index
      %swap3A_76 = tpu.vector_load %arg11[%swap3A_74, %swap3A_75] {strides = array<i32>} : memref<128x128xf32, #tpu.memory_space<vmem>>, vector<1x16xf32>,
      %swap3A_77 = vector.shape_cast %swap3A_76 : vector<1x16xf32> to vector<16xf32>
      %swap3A_78 = vector.shape_cast %broadcast_in_dim3A_73 : vector<16xf32> to vector<1x16xf32>
      tpu.vector_store %arg11[%swap3A_74, %swap3A_75], %swap3A_78 {strides = array<i32>} : memref<128x128xf32, #tpu.memory_space<vmem>>, vector<1x16xf32>,
      %broadcast_in_dim3A_79 = arith.constant 0.000000e+00 : f32
      %broadcast_in_dim3A_80 = vector.broadcast %broadcast_in_dim3A_79 : f32 to vector<16xf32>
      %swap3A_81 = arith.index_cast %scan3A_44 : i32 to index
      %swap3A_82 = arith.constant 80 : index
      %swap3A_83 = tpu.vector_load %arg11[%swap3A_81, %swap3A_82] {strides = array<i32>} : memref<128x128xf32, #tpu.memory_space<vmem>>, vector<1x16xf32>,
      %swap3A_84 = vector.shape_cast %swap3A_83 : vector<1x16xf32> to vector<16xf32>
      %swap3A_85 = vector.shape_cast %broadcast_in_dim3A_80 : vector<16xf32> to vector<1x16xf32>
      tpu.vector_store %arg11[%swap3A_81, %swap3A_82], %swap3A_85 {strides = array<i32>} : memref<128x128xf32, #tpu.memory_space<vmem>>, vector<1x16xf32>,
      %broadcast_in_dim3A_86 = arith.constant 0.000000e+00 : f32
      %broadcast_in_dim3A_87 = vector.broadcast %broadcast_in_dim3A_86 : f32 to vector<16xf32>
      %swap3A_88 = arith.index_cast %scan3A_44 : i32 to index
      %swap3A_89 = arith.constant 96 : index
      %swap3A_90 = tpu.vector_load %arg11[%swap3A_88, %swap3A_89] {strides = array<i32>} : memref<128x128xf32, #tpu.memory_space<vmem>>, vector<1x16xf32>,
      %swap3A_91 = vector.shape_cast %swap3A_90 : vector<1x16xf32> to vector<16xf32>
      %swap3A_92 = vector.shape_cast %broadcast_in_dim3A_87 : vector<16xf32> to vector<1x16xf32>
      tpu.vector_store %arg11[%swap3A_88, %swap3A_89], %swap3A_92 {strides = array<i32>} : memref<128x128xf32, #tpu.memory_space<vmem>>, vector<1x16xf32>,
      %broadcast_in_dim3A_93 = arith.constant 0.000000e+00 : f32
      %broadcast_in_dim3A_94 = vector.broadcast %broadcast_in_dim3A_93 : f32 to vector<16xf32>
      %swap3A_95 = arith.index_cast %scan3A_44 : i32 to index
      %swap3A_96 = arith.constant 112 : index
      %swap3A_97 = tpu.vector_load %arg11[%swap3A_95, %swap3A_96] {strides = array<i32>} : memref<128x128xf32, #tpu.memory_space<vmem>>, vector<1x16xf32>,
      %swap3A_98 = vector.shape_cast %swap3A_97 : vector<1x16xf32> to vector<16xf32>
      %swap3A_99 = vector.shape_cast %broadcast_in_dim3A_94 : vector<16xf32> to vector<1x16xf32>
      tpu.vector_store %arg11[%swap3A_95, %swap3A_96], %swap3A_99 {strides = array<i32>} : memref<128x128xf32, #tpu.memory_space<vmem>>, vector<1x16xf32>,
      %scan3A_100 = arith.constant 0 : i32
      scf.yield %scan3A_100 : i32
    }
    %scan3A_6 = arith.constant 128 : i32
    %mul3A_7 = arith.constant 640 : i32
    %mul3A_8 = arith.muli %arg1, %mul3A_7 : i32
    %add3A_9 = arith.constant 0 : i32
    %add3A_10 = arith.addi %mul3A_8, %add3A_9 : i32
    "tpu.region"() ({
      %run_scoped3A = tpu.sem_alloc : memref<!tpu.dma_semaphore, #tpu.memory_space<semaphore_mem>>
      %dma_start3A = arith.constant 0 : i32
      %dma_start3A_44 = tpu.memref_slice %arg12[%add3A_10, %dma_start3A] : memref<10240x128xf32, #tpu.memory_space<vmem_shared>> -> memref<128x128xf32, #tpu.memory_space<vmem_shared>>
      %dma_start3A_45 = arith.constant 0 : i32
      %dma_start3A_46 = tpu.memref_slice %arg12[%add3A_10, %dma_start3A_45] : memref<10240x128xf32, #tpu.memory_space<vmem_shared>> -> memref<128x128xf32, #tpu.memory_space<vmem_shared>>
      tpu.enqueue_dma source(%arg11 : memref<128x128xf32, #tpu.memory_space<vmem>>) target(%dma_start3A_46 : memref<128x128xf32, #tpu.memory_space<vmem_shared>>) target_semaphore(%run_scoped3A : memref<!tpu.dma_semaphore, #tpu.memory_space<semaphore_mem>>)
      %dma_wait3A = arith.constant 0 : i32
      %dma_wait3A_47 = tpu.memref_slice %arg12[%add3A_10, %dma_wait3A] : memref<10240x128xf32, #tpu.memory_space<vmem_shared>> -> memref<128x128xf32, #tpu.memory_space<vmem_shared>>
      %dma_wait3A_48 = arith.constant 0 : i32
      %dma_wait3A_49 = tpu.memref_slice %arg12[%add3A_10, %dma_wait3A_48] : memref<10240x128xf32, #tpu.memory_space<vmem_shared>> -> memref<128x128xf32, #tpu.memory_space<vmem_shared>>
      tpu.wait_dma2 semaphore(%run_scoped3A : memref<!tpu.dma_semaphore, #tpu.memory_space<semaphore_mem>>) src(%arg11 : memref<128x128xf32, #tpu.memory_space<vmem>>) dst(%dma_wait3A_49 : memref<128x128xf32, #tpu.memory_space<vmem_shared>>)
      tpu.yield
    }) : () -> ()
    %mul3A_11 = arith.constant 640 : i32
    %mul3A_12 = arith.muli %arg1, %mul3A_11 : i32
    %add3A_13 = arith.constant 128 : i32
    %add3A_14 = arith.addi %mul3A_12, %add3A_13 : i32
    "tpu.region"() ({
      %run_scoped3A = tpu.sem_alloc : memref<!tpu.dma_semaphore, #tpu.memory_space<semaphore_mem>>
      %dma_start3A = arith.constant 0 : i32
      %dma_start3A_44 = tpu.memref_slice %arg12[%add3A_14, %dma_start3A] : memref<10240x128xf32, #tpu.memory_space<vmem_shared>> -> memref<128x128xf32, #tpu.memory_space<vmem_shared>>
      %dma_start3A_45 = arith.constant 0 : i32
      %dma_start3A_46 = tpu.memref_slice %arg12[%add3A_14, %dma_start3A_45] : memref<10240x128xf32, #tpu.memory_space<vmem_shared>> -> memref<128x128xf32, #tpu.memory_space<vmem_shared>>
      tpu.enqueue_dma source(%arg11 : memref<128x128xf32, #tpu.memory_space<vmem>>) target(%dma_start3A_46 : memref<128x128xf32, #tpu.memory_space<vmem_shared>>) target_semaphore(%run_scoped3A : memref<!tpu.dma_semaphore, #tpu.memory_space<semaphore_mem>>)
      %dma_wait3A = arith.constant 0 : i32
      %dma_wait3A_47 = tpu.memref_slice %arg12[%add3A_14, %dma_wait3A] : memref<10240x128xf32, #tpu.memory_space<vmem_shared>> -> memref<128x128xf32, #tpu.memory_space<vmem_shared>>
      %dma_wait3A_48 = arith.constant 0 : i32
      %dma_wait3A_49 = tpu.memref_slice %arg12[%add3A_14, %dma_wait3A_48] : memref<10240x128xf32, #tpu.memory_space<vmem_shared>> -> memref<128x128xf32, #tpu.memory_space<vmem_shared>>
      tpu.wait_dma2 semaphore(%run_scoped3A : memref<!tpu.dma_semaphore, #tpu.memory_space<semaphore_mem>>) src(%arg11 : memref<128x128xf32, #tpu.memory_space<vmem>>) dst(%dma_wait3A_49 : memref<128x128xf32, #tpu.memory_space<vmem_shared>>)
      tpu.yield
    }) : () -> ()
    %mul3A_15 = arith.constant 640 : i32
    %mul3A_16 = arith.muli %arg1, %mul3A_15 : i32
    %add3A_17 = arith.constant 256 : i32
    %add3A_18 = arith.addi %mul3A_16, %add3A_17 : i32
    "tpu.region"() ({
      %run_scoped3A = tpu.sem_alloc : memref<!tpu.dma_semaphore, #tpu.memory_space<semaphore_mem>>
      %dma_start3A = arith.constant 0 : i32
      %dma_start3A_44 = tpu.memref_slice %arg12[%add3A_18, %dma_start3A] : memref<10240x128xf32, #tpu.memory_space<vmem_shared>> -> memref<128x128xf32, #tpu.memory_space<vmem_shared>>
      %dma_start3A_45 = arith.constant 0 : i32
      %dma_start3A_46 = tpu.memref_slice %arg12[%add3A_18, %dma_start3A_45] : memref<10240x128xf32, #tpu.memory_space<vmem_shared>> -> memref<128x128xf32, #tpu.memory_space<vmem_shared>>
      tpu.enqueue_dma source(%arg11 : memref<128x128xf32, #tpu.memory_space<vmem>>) target(%dma_start3A_46 : memref<128x128xf32, #tpu.memory_space<vmem_shared>>) target_semaphore(%run_scoped3A : memref<!tpu.dma_semaphore, #tpu.memory_space<semaphore_mem>>)
      %dma_wait3A = arith.constant 0 : i32
      %dma_wait3A_47 = tpu.memref_slice %arg12[%add3A_18, %dma_wait3A] : memref<10240x128xf32, #tpu.memory_space<vmem_shared>> -> memref<128x128xf32, #tpu.memory_space<vmem_shared>>
      %dma_wait3A_48 = arith.constant 0 : i32
      %dma_wait3A_49 = tpu.memref_slice %arg12[%add3A_18, %dma_wait3A_48] : memref<10240x128xf32, #tpu.memory_space<vmem_shared>> -> memref<128x128xf32, #tpu.memory_space<vmem_shared>>
      tpu.wait_dma2 semaphore(%run_scoped3A : memref<!tpu.dma_semaphore, #tpu.memory_space<semaphore_mem>>) src(%arg11 : memref<128x128xf32, #tpu.memory_space<vmem>>) dst(%dma_wait3A_49 : memref<128x128xf32, #tpu.memory_space<vmem_shared>>)
      tpu.yield
    }) : () -> ()
    %mul3A_19 = arith.constant 640 : i32
    %mul3A_20 = arith.muli %arg1, %mul3A_19 : i32
    %add3A_21 = arith.constant 384 : i32
    %add3A_22 = arith.addi %mul3A_20, %add3A_21 : i32
    "tpu.region"() ({
      %run_scoped3A = tpu.sem_alloc : memref<!tpu.dma_semaphore, #tpu.memory_space<semaphore_mem>>
      %dma_start3A = arith.constant 0 : i32
      %dma_start3A_44 = tpu.memref_slice %arg12[%add3A_22, %dma_start3A] : memref<10240x128xf32, #tpu.memory_space<vmem_shared>> -> memref<128x128xf32, #tpu.memory_space<vmem_shared>>
      %dma_start3A_45 = arith.constant 0 : i32
      %dma_start3A_46 = tpu.memref_slice %arg12[%add3A_22, %dma_start3A_45] : memref<10240x128xf32, #tpu.memory_space<vmem_shared>> -> memref<128x128xf32, #tpu.memory_space<vmem_shared>>
      tpu.enqueue_dma source(%arg11 : memref<128x128xf32, #tpu.memory_space<vmem>>) target(%dma_start3A_46 : memref<128x128xf32, #tpu.memory_space<vmem_shared>>) target_semaphore(%run_scoped3A : memref<!tpu.dma_semaphore, #tpu.memory_space<semaphore_mem>>)
      %dma_wait3A = arith.constant 0 : i32
      %dma_wait3A_47 = tpu.memref_slice %arg12[%add3A_22, %dma_wait3A] : memref<10240x128xf32, #tpu.memory_space<vmem_shared>> -> memref<128x128xf32, #tpu.memory_space<vmem_shared>>
      %dma_wait3A_48 = arith.constant 0 : i32
      %dma_wait3A_49 = tpu.memref_slice %arg12[%add3A_22, %dma_wait3A_48] : memref<10240x128xf32, #tpu.memory_space<vmem_shared>> -> memref<128x128xf32, #tpu.memory_space<vmem_shared>>
      tpu.wait_dma2 semaphore(%run_scoped3A : memref<!tpu.dma_semaphore, #tpu.memory_space<semaphore_mem>>) src(%arg11 : memref<128x128xf32, #tpu.memory_space<vmem>>) dst(%dma_wait3A_49 : memref<128x128xf32, #tpu.memory_space<vmem_shared>>)
      tpu.yield
    }) : () -> ()
    %mul3A_23 = arith.constant 640 : i32
    %mul3A_24 = arith.muli %arg1, %mul3A_23 : i32
    %add3A_25 = arith.constant 512 : i32
    %add3A_26 = arith.addi %mul3A_24, %add3A_25 : i32
    "tpu.region"() ({
      %run_scoped3A = tpu.sem_alloc : memref<!tpu.dma_semaphore, #tpu.memory_space<semaphore_mem>>
      %dma_start3A = arith.constant 0 : i32
      %dma_start3A_44 = tpu.memref_slice %arg12[%add3A_26, %dma_start3A] : memref<10240x128xf32, #tpu.memory_space<vmem_shared>> -> memref<128x128xf32, #tpu.memory_space<vmem_shared>>
      %dma_start3A_45 = arith.constant 0 : i32
      %dma_start3A_46 = tpu.memref_slice %arg12[%add3A_26, %dma_start3A_45] : memref<10240x128xf32, #tpu.memory_space<vmem_shared>> -> memref<128x128xf32, #tpu.memory_space<vmem_shared>>
      tpu.enqueue_dma source(%arg11 : memref<128x128xf32, #tpu.memory_space<vmem>>) target(%dma_start3A_46 : memref<128x128xf32, #tpu.memory_space<vmem_shared>>) target_semaphore(%run_scoped3A : memref<!tpu.dma_semaphore, #tpu.memory_space<semaphore_mem>>)
      %dma_wait3A = arith.constant 0 : i32
      %dma_wait3A_47 = tpu.memref_slice %arg12[%add3A_26, %dma_wait3A] : memref<10240x128xf32, #tpu.memory_space<vmem_shared>> -> memref<128x128xf32, #tpu.memory_space<vmem_shared>>
      %dma_wait3A_48 = arith.constant 0 : i32
      %dma_wait3A_49 = tpu.memref_slice %arg12[%add3A_26, %dma_wait3A_48] : memref<10240x128xf32, #tpu.memory_space<vmem_shared>> -> memref<128x128xf32, #tpu.memory_space<vmem_shared>>
      tpu.wait_dma2 semaphore(%run_scoped3A : memref<!tpu.dma_semaphore, #tpu.memory_space<semaphore_mem>>) src(%arg11 : memref<128x128xf32, #tpu.memory_space<vmem>>) dst(%dma_wait3A_49 : memref<128x128xf32, #tpu.memory_space<vmem_shared>>)
      tpu.yield
    }) : () -> ()
    %barrier3A = arith.constant 0 : index
    tpu.barrier barrier_id(%barrier3A)
    %mul3A_27 = arith.constant 10000 : i32
    %mul3A_28 = arith.muli %add3A, %mul3A_27 : i32
    %scan3A_29 = arith.constant 0 : i32
    %scan3A_30 = arith.constant 0 : i32
    %scan3A_31 = arith.constant 125 : i32
    %scan3A_32 = arith.addi %scan3A_30, %scan3A_31 : i32
    %scan3A_33 = arith.constant 1 : i32
    %scan3A_34 = scf.for %scan3A_44 = %scan3A_30 to %scan3A_32 step %scan3A_33 iter_args(%scan3A_45 = %scan3A_29) -> (i32)  : i32 {
      %mul3A_46 = arith.constant 80 : i32
      %mul3A_47 = arith.muli %scan3A_44, %mul3A_46 : i32
      %add3A_48 = arith.addi %mul3A_28, %mul3A_47 : i32
      "tpu.region"() ({
        %run_scoped3A = tpu.sem_alloc : memref<!tpu.dma_semaphore, #tpu.memory_space<semaphore_mem>>
        %dma_start3A_61 = tpu.memref_slice %arg4[%add3A_48] : memref<320000xi32, #tpu.memory_space<hbm>> -> memref<80xi32, #tpu.memory_space<hbm>>
        %dma_start3A_62 = tpu.memref_slice %arg4[%add3A_48] : memref<320000xi32, #tpu.memory_space<hbm>> -> memref<80xi32, #tpu.memory_space<hbm>>
        tpu.enqueue_dma source(%dma_start3A_62 : memref<80xi32, #tpu.memory_space<hbm>>) target(%arg7 : memref<80xi32, #tpu.memory_space<vmem>>) target_semaphore(%run_scoped3A : memref<!tpu.dma_semaphore, #tpu.memory_space<semaphore_mem>>)
        %dma_wait3A_63 = tpu.memref_slice %arg4[%add3A_48] : memref<320000xi32, #tpu.memory_space<hbm>> -> memref<80xi32, #tpu.memory_space<hbm>>
        %dma_wait3A_64 = tpu.memref_slice %arg4[%add3A_48] : memref<320000xi32, #tpu.memory_space<hbm>> -> memref<80xi32, #tpu.memory_space<hbm>>
        tpu.wait_dma2 semaphore(%run_scoped3A : memref<!tpu.dma_semaphore, #tpu.memory_space<semaphore_mem>>) src(%dma_wait3A_64 : memref<80xi32, #tpu.memory_space<hbm>>) dst(%arg7 : memref<80xi32, #tpu.memory_space<vmem>>)
        tpu.yield
      }) : () -> ()
      "tpu.region"() ({
        %run_scoped3A = tpu.sem_alloc : memref<!tpu.dma_semaphore, #tpu.memory_space<semaphore_mem>>
        %dma_start3A_61 = tpu.memref_slice %arg5[%add3A_48] : memref<320000xi32, #tpu.memory_space<hbm>> -> memref<80xi32, #tpu.memory_space<hbm>>
        %dma_start3A_62 = tpu.memref_slice %arg5[%add3A_48] : memref<320000xi32, #tpu.memory_space<hbm>> -> memref<80xi32, #tpu.memory_space<hbm>>
        tpu.enqueue_dma source(%dma_start3A_62 : memref<80xi32, #tpu.memory_space<hbm>>) target(%arg8 : memref<80xi32, #tpu.memory_space<vmem>>) target_semaphore(%run_scoped3A : memref<!tpu.dma_semaphore, #tpu.memory_space<semaphore_mem>>)
        %dma_wait3A_63 = tpu.memref_slice %arg5[%add3A_48] : memref<320000xi32, #tpu.memory_space<hbm>> -> memref<80xi32, #tpu.memory_space<hbm>>
        %dma_wait3A_64 = tpu.memref_slice %arg5[%add3A_48] : memref<320000xi32, #tpu.memory_space<hbm>> -> memref<80xi32, #tpu.memory_space<hbm>>
        tpu.wait_dma2 semaphore(%run_scoped3A : memref<!tpu.dma_semaphore, #tpu.memory_space<semaphore_mem>>) src(%dma_wait3A_64 : memref<80xi32, #tpu.memory_space<hbm>>) dst(%arg8 : memref<80xi32, #tpu.memory_space<vmem>>)
        tpu.yield
      }) : () -> ()
      %dma_start3A = arith.constant 0 : i32
      %dma_start3A_49 = arith.constant 0 : i32
      %dma_start3A_50 = tpu.memref_slice %arg2[%dma_start3A, %dma_start3A_49] : memref<10000x128xf32, #tpu.memory_space<hbm>> -> memref<10000x128xf32, #tpu.memory_space<hbm>>
      tpu.enqueue_indirect_dma source(%dma_start3A_50 : memref<10000x128xf32, #tpu.memory_space<hbm>>) target(%arg9 : memref<80x128xf32, #tpu.memory_space<vmem>>) offsets(%arg7 : memref<80xi32, #tpu.memory_space<vmem>>) semaphore(%arg13 : memref<!tpu.dma_semaphore, #tpu.memory_space<semaphore_mem>>)
      %dma_wait3A = arith.constant 0 : i32
      %dma_wait3A_51 = arith.constant 0 : i32
      %dma_wait3A_52 = tpu.memref_slice %arg2[%dma_wait3A, %dma_wait3A_51] : memref<10000x128xf32, #tpu.memory_space<hbm>> -> memref<10000x128xf32, #tpu.memory_space<hbm>>
      tpu.wait_indirect_dma semaphore(%arg13 : memref<!tpu.dma_semaphore, #tpu.memory_space<semaphore_mem>>) src(%dma_wait3A_52 : memref<10000x128xf32, #tpu.memory_space<hbm>>) dst(%arg9 : memref<80x128xf32, #tpu.memory_space<vmem>>)
      "tpu.region"() ({
        %run_scoped3A = tpu.sem_alloc : memref<!tpu.dma_semaphore, #tpu.memory_space<semaphore_mem>>
        %dma_start3A_61 = arith.constant 0 : i32
        %dma_start3A_62 = tpu.memref_slice %arg3[%add3A_48, %dma_start3A_61] : memref<320000x128xf32, #tpu.memory_space<hbm>> -> memref<80x128xf32, #tpu.memory_space<hbm>>
        %dma_start3A_63 = arith.constant 0 : i32
        %dma_start3A_64 = tpu.memref_slice %arg3[%add3A_48, %dma_start3A_63] : memref<320000x128xf32, #tpu.memory_space<hbm>> -> memref<80x128xf32, #tpu.memory_space<hbm>>
        tpu.enqueue_dma source(%dma_start3A_64 : memref<80x128xf32, #tpu.memory_space<hbm>>) target(%arg10 : memref<80x128xf32, #tpu.memory_space<vmem>>) target_semaphore(%run_scoped3A : memref<!tpu.dma_semaphore, #tpu.memory_space<semaphore_mem>>)
        %dma_wait3A_65 = arith.constant 0 : i32
        %dma_wait3A_66 = tpu.memref_slice %arg3[%add3A_48, %dma_wait3A_65] : memref<320000x128xf32, #tpu.memory_space<hbm>> -> memref<80x128xf32, #tpu.memory_space<hbm>>
        %dma_wait3A_67 = arith.constant 0 : i32
        %dma_wait3A_68 = tpu.memref_slice %arg3[%add3A_48, %dma_wait3A_67] : memref<320000x128xf32, #tpu.memory_space<hbm>> -> memref<80x128xf32, #tpu.memory_space<hbm>>
        tpu.wait_dma2 semaphore(%run_scoped3A : memref<!tpu.dma_semaphore, #tpu.memory_space<semaphore_mem>>) src(%dma_wait3A_68 : memref<80x128xf32, #tpu.memory_space<hbm>>) dst(%arg10 : memref<80x128xf32, #tpu.memory_space<vmem>>)
        tpu.yield
      }) : () -> ()
      %scan3A_53 = arith.constant 0 : i32
      %scan3A_54 = arith.constant 0 : i32
      %scan3A_55 = arith.constant 80 : i32
      %scan3A_56 = arith.addi %scan3A_54, %scan3A_55 : i32
      %scan3A_57 = arith.constant 1 : i32
      %scan3A_58 = scf.for %scan3A_61 = %scan3A_54 to %scan3A_56 step %scan3A_57 iter_args(%scan3A_62 = %scan3A_53) -> (i32)  : i32 {
        %get3A = arith.index_cast %scan3A_61 : i32 to index
        %get3A_63 = arith.constant 0 : index
        %get3A_64 = tpu.vector_load %arg10[%get3A, %get3A_63] {strides = array<i32>} : memref<80x128xf32, #tpu.memory_space<vmem>>, vector<1x16xf32>,
        %get3A_65 = vector.shape_cast %get3A_64 : vector<1x16xf32> to vector<16xf32>
        %get3A_66 = arith.index_cast %scan3A_61 : i32 to index
        %get3A_67 = arith.constant 0 : index
        %get3A_68 = tpu.vector_load %arg9[%get3A_66, %get3A_67] {strides = array<i32>} : memref<80x128xf32, #tpu.memory_space<vmem>>, vector<1x16xf32>,
        %get3A_69 = vector.shape_cast %get3A_68 : vector<1x16xf32> to vector<16xf32>
        %mul3A_70 = arith.mulf %get3A_65, %get3A_69 : vector<16xf32>
        %swap3A = arith.index_cast %scan3A_61 : i32 to index
        %swap3A_71 = arith.constant 0 : index
        %swap3A_72 = tpu.vector_load %arg10[%swap3A, %swap3A_71] {strides = array<i32>} : memref<80x128xf32, #tpu.memory_space<vmem>>, vector<1x16xf32>,
        %swap3A_73 = vector.shape_cast %swap3A_72 : vector<1x16xf32> to vector<16xf32>
        %swap3A_74 = vector.shape_cast %mul3A_70 : vector<16xf32> to vector<1x16xf32>
        tpu.vector_store %arg10[%swap3A, %swap3A_71], %swap3A_74 {strides = array<i32>} : memref<80x128xf32, #tpu.memory_space<vmem>>, vector<1x16xf32>,
        %get3A_75 = arith.index_cast %scan3A_61 : i32 to index
        %get3A_76 = arith.constant 16 : index
        %get3A_77 = tpu.vector_load %arg10[%get3A_75, %get3A_76] {strides = array<i32>} : memref<80x128xf32, #tpu.memory_space<vmem>>, vector<1x16xf32>,
        %get3A_78 = vector.shape_cast %get3A_77 : vector<1x16xf32> to vector<16xf32>
        %get3A_79 = arith.index_cast %scan3A_61 : i32 to index
        %get3A_80 = arith.constant 16 : index
        %get3A_81 = tpu.vector_load %arg9[%get3A_79, %get3A_80] {strides = array<i32>} : memref<80x128xf32, #tpu.memory_space<vmem>>, vector<1x16xf32>,
        %get3A_82 = vector.shape_cast %get3A_81 : vector<1x16xf32> to vector<16xf32>
        %mul3A_83 = arith.mulf %get3A_78, %get3A_82 : vector<16xf32>
        %swap3A_84 = arith.index_cast %scan3A_61 : i32 to index
        %swap3A_85 = arith.constant 16 : index
        %swap3A_86 = tpu.vector_load %arg10[%swap3A_84, %swap3A_85] {strides = array<i32>} : memref<80x128xf32, #tpu.memory_space<vmem>>, vector<1x16xf32>,
        %swap3A_87 = vector.shape_cast %swap3A_86 : vector<1x16xf32> to vector<16xf32>
        %swap3A_88 = vector.shape_cast %mul3A_83 : vector<16xf32> to vector<1x16xf32>
        tpu.vector_store %arg10[%swap3A_84, %swap3A_85], %swap3A_88 {strides = array<i32>} : memref<80x128xf32, #tpu.memory_space<vmem>>, vector<1x16xf32>,
        %get3A_89 = arith.index_cast %scan3A_61 : i32 to index
        %get3A_90 = arith.constant 32 : index
        %get3A_91 = tpu.vector_load %arg10[%get3A_89, %get3A_90] {strides = array<i32>} : memref<80x128xf32, #tpu.memory_space<vmem>>, vector<1x16xf32>,
        %get3A_92 = vector.shape_cast %get3A_91 : vector<1x16xf32> to vector<16xf32>
        %get3A_93 = arith.index_cast %scan3A_61 : i32 to index
        %get3A_94 = arith.constant 32 : index
        %get3A_95 = tpu.vector_load %arg9[%get3A_93, %get3A_94] {strides = array<i32>} : memref<80x128xf32, #tpu.memory_space<vmem>>, vector<1x16xf32>,
        %get3A_96 = vector.shape_cast %get3A_95 : vector<1x16xf32> to vector<16xf32>
        %mul3A_97 = arith.mulf %get3A_92, %get3A_96 : vector<16xf32>
        %swap3A_98 = arith.index_cast %scan3A_61 : i32 to index
        %swap3A_99 = arith.constant 32 : index
        %swap3A_100 = tpu.vector_load %arg10[%swap3A_98, %swap3A_99] {strides = array<i32>} : memref<80x128xf32, #tpu.memory_space<vmem>>, vector<1x16xf32>,
        %swap3A_101 = vector.shape_cast %swap3A_100 : vector<1x16xf32> to vector<16xf32>
        %swap3A_102 = vector.shape_cast %mul3A_97 : vector<16xf32> to vector<1x16xf32>
        tpu.vector_store %arg10[%swap3A_98, %swap3A_99], %swap3A_102 {strides = array<i32>} : memref<80x128xf32, #tpu.memory_space<vmem>>, vector<1x16xf32>,
        %get3A_103 = arith.index_cast %scan3A_61 : i32 to index
        %get3A_104 = arith.constant 48 : index
        %get3A_105 = tpu.vector_load %arg10[%get3A_103, %get3A_104] {strides = array<i32>} : memref<80x128xf32, #tpu.memory_space<vmem>>, vector<1x16xf32>,
        %get3A_106 = vector.shape_cast %get3A_105 : vector<1x16xf32> to vector<16xf32>
        %get3A_107 = arith.index_cast %scan3A_61 : i32 to index
        %get3A_108 = arith.constant 48 : index
        %get3A_109 = tpu.vector_load %arg9[%get3A_107, %get3A_108] {strides = array<i32>} : memref<80x128xf32, #tpu.memory_space<vmem>>, vector<1x16xf32>,
        %get3A_110 = vector.shape_cast %get3A_109 : vector<1x16xf32> to vector<16xf32>
        %mul3A_111 = arith.mulf %get3A_106, %get3A_110 : vector<16xf32>
        %swap3A_112 = arith.index_cast %scan3A_61 : i32 to index
        %swap3A_113 = arith.constant 48 : index
        %swap3A_114 = tpu.vector_load %arg10[%swap3A_112, %swap3A_113] {strides = array<i32>} : memref<80x128xf32, #tpu.memory_space<vmem>>, vector<1x16xf32>,
        %swap3A_115 = vector.shape_cast %swap3A_114 : vector<1x16xf32> to vector<16xf32>
        %swap3A_116 = vector.shape_cast %mul3A_111 : vector<16xf32> to vector<1x16xf32>
        tpu.vector_store %arg10[%swap3A_112, %swap3A_113], %swap3A_116 {strides = array<i32>} : memref<80x128xf32, #tpu.memory_space<vmem>>, vector<1x16xf32>,
        %get3A_117 = arith.index_cast %scan3A_61 : i32 to index
        %get3A_118 = arith.constant 64 : index
        %get3A_119 = tpu.vector_load %arg10[%get3A_117, %get3A_118] {strides = array<i32>} : memref<80x128xf32, #tpu.memory_space<vmem>>, vector<1x16xf32>,
        %get3A_120 = vector.shape_cast %get3A_119 : vector<1x16xf32> to vector<16xf32>
        %get3A_121 = arith.index_cast %scan3A_61 : i32 to index
        %get3A_122 = arith.constant 64 : index
        %get3A_123 = tpu.vector_load %arg9[%get3A_121, %get3A_122] {strides = array<i32>} : memref<80x128xf32, #tpu.memory_space<vmem>>, vector<1x16xf32>,
        %get3A_124 = vector.shape_cast %get3A_123 : vector<1x16xf32> to vector<16xf32>
        %mul3A_125 = arith.mulf %get3A_120, %get3A_124 : vector<16xf32>
        %swap3A_126 = arith.index_cast %scan3A_61 : i32 to index
        %swap3A_127 = arith.constant 64 : index
        %swap3A_128 = tpu.vector_load %arg10[%swap3A_126, %swap3A_127] {strides = array<i32>} : memref<80x128xf32, #tpu.memory_space<vmem>>, vector<1x16xf32>,
        %swap3A_129 = vector.shape_cast %swap3A_128 : vector<1x16xf32> to vector<16xf32>
        %swap3A_130 = vector.shape_cast %mul3A_125 : vector<16xf32> to vector<1x16xf32>
        tpu.vector_store %arg10[%swap3A_126, %swap3A_127], %swap3A_130 {strides = array<i32>} : memref<80x128xf32, #tpu.memory_space<vmem>>, vector<1x16xf32>,
        %get3A_131 = arith.index_cast %scan3A_61 : i32 to index
        %get3A_132 = arith.constant 80 : index
        %get3A_133 = tpu.vector_load %arg10[%get3A_131, %get3A_132] {strides = array<i32>} : memref<80x128xf32, #tpu.memory_space<vmem>>, vector<1x16xf32>,
        %get3A_134 = vector.shape_cast %get3A_133 : vector<1x16xf32> to vector<16xf32>
        %get3A_135 = arith.index_cast %scan3A_61 : i32 to index
        %get3A_136 = arith.constant 80 : index
        %get3A_137 = tpu.vector_load %arg9[%get3A_135, %get3A_136] {strides = array<i32>} : memref<80x128xf32, #tpu.memory_space<vmem>>, vector<1x16xf32>,
        %get3A_138 = vector.shape_cast %get3A_137 : vector<1x16xf32> to vector<16xf32>
        %mul3A_139 = arith.mulf %get3A_134, %get3A_138 : vector<16xf32>
        %swap3A_140 = arith.index_cast %scan3A_61 : i32 to index
        %swap3A_141 = arith.constant 80 : index
        %swap3A_142 = tpu.vector_load %arg10[%swap3A_140, %swap3A_141] {strides = array<i32>} : memref<80x128xf32, #tpu.memory_space<vmem>>, vector<1x16xf32>,
        %swap3A_143 = vector.shape_cast %swap3A_142 : vector<1x16xf32> to vector<16xf32>
        %swap3A_144 = vector.shape_cast %mul3A_139 : vector<16xf32> to vector<1x16xf32>
        tpu.vector_store %arg10[%swap3A_140, %swap3A_141], %swap3A_144 {strides = array<i32>} : memref<80x128xf32, #tpu.memory_space<vmem>>, vector<1x16xf32>,
        %get3A_145 = arith.index_cast %scan3A_61 : i32 to index
        %get3A_146 = arith.constant 96 : index
        %get3A_147 = tpu.vector_load %arg10[%get3A_145, %get3A_146] {strides = array<i32>} : memref<80x128xf32, #tpu.memory_space<vmem>>, vector<1x16xf32>,
        %get3A_148 = vector.shape_cast %get3A_147 : vector<1x16xf32> to vector<16xf32>
        %get3A_149 = arith.index_cast %scan3A_61 : i32 to index
        %get3A_150 = arith.constant 96 : index
        %get3A_151 = tpu.vector_load %arg9[%get3A_149, %get3A_150] {strides = array<i32>} : memref<80x128xf32, #tpu.memory_space<vmem>>, vector<1x16xf32>,
        %get3A_152 = vector.shape_cast %get3A_151 : vector<1x16xf32> to vector<16xf32>
        %mul3A_153 = arith.mulf %get3A_148, %get3A_152 : vector<16xf32>
        %swap3A_154 = arith.index_cast %scan3A_61 : i32 to index
        %swap3A_155 = arith.constant 96 : index
        %swap3A_156 = tpu.vector_load %arg10[%swap3A_154, %swap3A_155] {strides = array<i32>} : memref<80x128xf32, #tpu.memory_space<vmem>>, vector<1x16xf32>,
        %swap3A_157 = vector.shape_cast %swap3A_156 : vector<1x16xf32> to vector<16xf32>
        %swap3A_158 = vector.shape_cast %mul3A_153 : vector<16xf32> to vector<1x16xf32>
        tpu.vector_store %arg10[%swap3A_154, %swap3A_155], %swap3A_158 {strides = array<i32>} : memref<80x128xf32, #tpu.memory_space<vmem>>, vector<1x16xf32>,
        %get3A_159 = arith.index_cast %scan3A_61 : i32 to index
        %get3A_160 = arith.constant 112 : index
        %get3A_161 = tpu.vector_load %arg10[%get3A_159, %get3A_160] {strides = array<i32>} : memref<80x128xf32, #tpu.memory_space<vmem>>, vector<1x16xf32>,
        %get3A_162 = vector.shape_cast %get3A_161 : vector<1x16xf32> to vector<16xf32>
        %get3A_163 = arith.index_cast %scan3A_61 : i32 to index
        %get3A_164 = arith.constant 112 : index
        %get3A_165 = tpu.vector_load %arg9[%get3A_163, %get3A_164] {strides = array<i32>} : memref<80x128xf32, #tpu.memory_space<vmem>>, vector<1x16xf32>,
        %get3A_166 = vector.shape_cast %get3A_165 : vector<1x16xf32> to vector<16xf32>
        %mul3A_167 = arith.mulf %get3A_162, %get3A_166 : vector<16xf32>
        %swap3A_168 = arith.index_cast %scan3A_61 : i32 to index
        %swap3A_169 = arith.constant 112 : index
        %swap3A_170 = tpu.vector_load %arg10[%swap3A_168, %swap3A_169] {strides = array<i32>} : memref<80x128xf32, #tpu.memory_space<vmem>>, vector<1x16xf32>,
        %swap3A_171 = vector.shape_cast %swap3A_170 : vector<1x16xf32> to vector<16xf32>
        %swap3A_172 = vector.shape_cast %mul3A_167 : vector<16xf32> to vector<1x16xf32>
        tpu.vector_store %arg10[%swap3A_168, %swap3A_169], %swap3A_172 {strides = array<i32>} : memref<80x128xf32, #tpu.memory_space<vmem>>, vector<1x16xf32>,
        %scan3A_173 = arith.constant 0 : i32
        scf.yield %scan3A_173 : i32
      }
      %scan3A_59 = arith.constant 80 : i32
      "tpu.region"() ({
        %run_scoped3A = tpu.sem_alloc : memref<!tpu.dma_semaphore, #tpu.memory_space<semaphore_mem>>
        %dma_start3A_61 = arith.constant 0 : i32
        %dma_start3A_62 = arith.constant 0 : i32
        %dma_start3A_63 = tpu.memref_slice %arg12[%dma_start3A_61, %dma_start3A_62] : memref<10240x128xf32, #tpu.memory_space<vmem_shared>> -> memref<10240x128xf32, #tpu.memory_space<vmem_shared>>
        tpu.enqueue_indirect_dma source(%arg10 : memref<80x128xf32, #tpu.memory_space<vmem>>) target(%dma_start3A_63 : memref<10240x128xf32, #tpu.memory_space<vmem_shared>>) offsets(%arg8 : memref<80xi32, #tpu.memory_space<vmem>>) semaphore(%run_scoped3A : memref<!tpu.dma_semaphore, #tpu.memory_space<semaphore_mem>>) {add = true}
        %dma_wait3A_64 = arith.constant 0 : i32
        %dma_wait3A_65 = arith.constant 0 : i32
        %dma_wait3A_66 = tpu.memref_slice %arg12[%dma_wait3A_64, %dma_wait3A_65] : memref<10240x128xf32, #tpu.memory_space<vmem_shared>> -> memref<10240x128xf32, #tpu.memory_space<vmem_shared>>
        tpu.wait_indirect_dma semaphore(%run_scoped3A : memref<!tpu.dma_semaphore, #tpu.memory_space<semaphore_mem>>) src(%arg10 : memref<80x128xf32, #tpu.memory_space<vmem>>) dst(%dma_wait3A_66 : memref<10240x128xf32, #tpu.memory_space<vmem_shared>>)
        tpu.yield
      }) : () -> ()
      %scan3A_60 = arith.constant 0 : i32
      scf.yield %scan3A_60 : i32
    }
    %scan3A_35 = arith.constant 125 : i32
    %barrier3A_36 = arith.constant 0 : index
    tpu.barrier barrier_id(%barrier3A_36)
    %mul3A_37 = arith.constant 640 : i32
    %mul3A_38 = arith.muli %arg1, %mul3A_37 : i32
    %mul3A_39 = arith.constant 10240 : i32
    %mul3A_40 = arith.muli %arg0, %mul3A_39 : i32
    %mul3A_41 = arith.constant 640 : i32
    %mul3A_42 = arith.muli %arg1, %mul3A_41 : i32
    %add3A_43 = arith.addi %mul3A_40, %mul3A_42 : i32
    "tpu.region"() ({
      %run_scoped3A = tpu.sem_alloc : memref<!tpu.dma_semaphore, #tpu.memory_space<semaphore_mem>>
      %dma_start3A = arith.constant 0 : i32
      %dma_start3A_44 = tpu.memref_slice %arg6[%add3A_43, %dma_start3A] : memref<20480x128xf32, #tpu.memory_space<hbm>> -> memref<640x128xf32, #tpu.memory_space<hbm>>
      %dma_start3A_45 = arith.constant 0 : i32
      %dma_start3A_46 = tpu.memref_slice %arg12[%mul3A_38, %dma_start3A_45] : memref<10240x128xf32, #tpu.memory_space<vmem_shared>> -> memref<640x128xf32, #tpu.memory_space<vmem_shared>>
      tpu.enqueue_dma source(%dma_start3A_46 : memref<640x128xf32, #tpu.memory_space<vmem_shared>>) target(%dma_start3A_44 : memref<640x128xf32, #tpu.memory_space<hbm>>) target_semaphore(%run_scoped3A : memref<!tpu.dma_semaphore, #tpu.memory_space<semaphore_mem>>)
      %dma_wait3A = arith.constant 0 : i32
      %dma_wait3A_47 = tpu.memref_slice %arg6[%add3A_43, %dma_wait3A] : memref<20480x128xf32, #tpu.memory_space<hbm>> -> memref<640x128xf32, #tpu.memory_space<hbm>>
      %dma_wait3A_48 = arith.constant 0 : i32
      %dma_wait3A_49 = tpu.memref_slice %arg12[%mul3A_38, %dma_wait3A_48] : memref<10240x128xf32, #tpu.memory_space<vmem_shared>> -> memref<640x128xf32, #tpu.memory_space<vmem_shared>>
      tpu.wait_dma2 semaphore(%run_scoped3A : memref<!tpu.dma_semaphore, #tpu.memory_space<semaphore_mem>>) src(%dma_wait3A_49 : memref<640x128xf32, #tpu.memory_space<vmem_shared>>) dst(%dma_wait3A_47 : memref<640x128xf32, #tpu.memory_space<hbm>>)
      tpu.yield
    }) : () -> ()
    return
  }
}

#map = affine_map<(d0, d1) -> (0, 0)>
#map1 = affine_map<(d0, d1) -> (0)>
module attributes {stable_mosaic.version = 14 : i64} {
  func.func @_sc_body(%arg0: i32, %arg1: i32, %arg2: memref<10000x128xf32, #tpu.memory_space<hbm>>, %arg3: memref<320000x128xf32, #tpu.memory_space<hbm>>, %arg4: memref<320000xi32, #tpu.memory_space<hbm>>, %arg5: memref<320000xi32, #tpu.memory_space<hbm>>, %arg6: memref<20480x128xf32, #tpu.memory_space<hbm>>, %arg7: memref<80xi32, #tpu.memory_space<vmem>>, %arg8: memref<80xi32, #tpu.memory_space<vmem>>, %arg9: memref<80x128xf32, #tpu.memory_space<vmem>>, %arg10: memref<80x128xf32, #tpu.memory_space<vmem>>, %arg11: memref<128x128xf32, #tpu.memory_space<vmem>>, %arg12: memref<10240x128xf32, #tpu.memory_space<vmem_shared>>, %arg13: memref<!tpu.dma_semaphore, #tpu.memory_space<semaphore_mem>>) attributes {dimension_semantics = [#tpu.dimension_semantics<core_parallel>, #tpu.dimension_semantics<subcore_parallel>], iteration_bounds = array<i64: 2, 16>, scalar_prefetch = 0 : i64, scratch_operands = 7 : i64, tpu.core_type = #tpu.core_type<sc_vector_subcore>, window_params = [{transform_indices = #map}, {transform_indices = #map}, {transform_indices = #map1}, {transform_indices = #map1}, {transform_indices = #map}]} {
    %mul3A = arith.constant 2 : i32
    %mul3A_0 = arith.muli %arg1, %mul3A : i32
    %add3A = arith.addi %mul3A_0, %arg0 : i32
    %scan3A = arith.constant 0 : i32
    %scan3A_1 = arith.constant 0 : i32
    %scan3A_2 = arith.constant 128 : i32
    %scan3A_3 = arith.addi %scan3A_1, %scan3A_2 : i32
    %scan3A_4 = arith.constant 1 : i32
    %scan3A_5 = scf.for %scan3A_44 = %scan3A_1 to %scan3A_3 step %scan3A_4 iter_args(%scan3A_45 = %scan3A) -> (i32)  : i32 {
      %broadcast_in_dim3A = arith.constant 0.000000e+00 : f32
      %broadcast_in_dim3A_46 = vector.broadcast %broadcast_in_dim3A : f32 to vector<16xf32>
      %swap3A = arith.index_cast %scan3A_44 : i32 to index
      %swap3A_47 = arith.constant 0 : index
      %swap3A_48 = tpu.vector_load %arg11[%swap3A, %swap3A_47] {strides = array<i32>} : memref<128x128xf32, #tpu.memory_space<vmem>>, vector<1x16xf32>,
      %swap3A_49 = vector.shape_cast %swap3A_48 : vector<1x16xf32> to vector<16xf32>
      %swap3A_50 = vector.shape_cast %broadcast_in_dim3A_46 : vector<16xf32> to vector<1x16xf32>
      tpu.vector_store %arg11[%swap3A, %swap3A_47], %swap3A_50 {strides = array<i32>} : memref<128x128xf32, #tpu.memory_space<vmem>>, vector<1x16xf32>,
      %broadcast_in_dim3A_51 = arith.constant 0.000000e+00 : f32
      %broadcast_in_dim3A_52 = vector.broadcast %broadcast_in_dim3A_51 : f32 to vector<16xf32>
      %swap3A_53 = arith.index_cast %scan3A_44 : i32 to index
      %swap3A_54 = arith.constant 16 : index
      %swap3A_55 = tpu.vector_load %arg11[%swap3A_53, %swap3A_54] {strides = array<i32>} : memref<128x128xf32, #tpu.memory_space<vmem>>, vector<1x16xf32>,
      %swap3A_56 = vector.shape_cast %swap3A_55 : vector<1x16xf32> to vector<16xf32>
      %swap3A_57 = vector.shape_cast %broadcast_in_dim3A_52 : vector<16xf32> to vector<1x16xf32>
      tpu.vector_store %arg11[%swap3A_53, %swap3A_54], %swap3A_57 {strides = array<i32>} : memref<128x128xf32, #tpu.memory_space<vmem>>, vector<1x16xf32>,
      %broadcast_in_dim3A_58 = arith.constant 0.000000e+00 : f32
      %broadcast_in_dim3A_59 = vector.broadcast %broadcast_in_dim3A_58 : f32 to vector<16xf32>
      %swap3A_60 = arith.index_cast %scan3A_44 : i32 to index
      %swap3A_61 = arith.constant 32 : index
      %swap3A_62 = tpu.vector_load %arg11[%swap3A_60, %swap3A_61] {strides = array<i32>} : memref<128x128xf32, #tpu.memory_space<vmem>>, vector<1x16xf32>,
      %swap3A_63 = vector.shape_cast %swap3A_62 : vector<1x16xf32> to vector<16xf32>
      %swap3A_64 = vector.shape_cast %broadcast_in_dim3A_59 : vector<16xf32> to vector<1x16xf32>
      tpu.vector_store %arg11[%swap3A_60, %swap3A_61], %swap3A_64 {strides = array<i32>} : memref<128x128xf32, #tpu.memory_space<vmem>>, vector<1x16xf32>,
      %broadcast_in_dim3A_65 = arith.constant 0.000000e+00 : f32
      %broadcast_in_dim3A_66 = vector.broadcast %broadcast_in_dim3A_65 : f32 to vector<16xf32>
      %swap3A_67 = arith.index_cast %scan3A_44 : i32 to index
      %swap3A_68 = arith.constant 48 : index
      %swap3A_69 = tpu.vector_load %arg11[%swap3A_67, %swap3A_68] {strides = array<i32>} : memref<128x128xf32, #tpu.memory_space<vmem>>, vector<1x16xf32>,
      %swap3A_70 = vector.shape_cast %swap3A_69 : vector<1x16xf32> to vector<16xf32>
      %swap3A_71 = vector.shape_cast %broadcast_in_dim3A_66 : vector<16xf32> to vector<1x16xf32>
      tpu.vector_store %arg11[%swap3A_67, %swap3A_68], %swap3A_71 {strides = array<i32>} : memref<128x128xf32, #tpu.memory_space<vmem>>, vector<1x16xf32>,
      %broadcast_in_dim3A_72 = arith.constant 0.000000e+00 : f32
      %broadcast_in_dim3A_73 = vector.broadcast %broadcast_in_dim3A_72 : f32 to vector<16xf32>
      %swap3A_74 = arith.index_cast %scan3A_44 : i32 to index
      %swap3A_75 = arith.constant 64 : index
      %swap3A_76 = tpu.vector_load %arg11[%swap3A_74, %swap3A_75] {strides = array<i32>} : memref<128x128xf32, #tpu.memory_space<vmem>>, vector<1x16xf32>,
      %swap3A_77 = vector.shape_cast %swap3A_76 : vector<1x16xf32> to vector<16xf32>
      %swap3A_78 = vector.shape_cast %broadcast_in_dim3A_73 : vector<16xf32> to vector<1x16xf32>
      tpu.vector_store %arg11[%swap3A_74, %swap3A_75], %swap3A_78 {strides = array<i32>} : memref<128x128xf32, #tpu.memory_space<vmem>>, vector<1x16xf32>,
      %broadcast_in_dim3A_79 = arith.constant 0.000000e+00 : f32
      %broadcast_in_dim3A_80 = vector.broadcast %broadcast_in_dim3A_79 : f32 to vector<16xf32>
      %swap3A_81 = arith.index_cast %scan3A_44 : i32 to index
      %swap3A_82 = arith.constant 80 : index
      %swap3A_83 = tpu.vector_load %arg11[%swap3A_81, %swap3A_82] {strides = array<i32>} : memref<128x128xf32, #tpu.memory_space<vmem>>, vector<1x16xf32>,
      %swap3A_84 = vector.shape_cast %swap3A_83 : vector<1x16xf32> to vector<16xf32>
      %swap3A_85 = vector.shape_cast %broadcast_in_dim3A_80 : vector<16xf32> to vector<1x16xf32>
      tpu.vector_store %arg11[%swap3A_81, %swap3A_82], %swap3A_85 {strides = array<i32>} : memref<128x128xf32, #tpu.memory_space<vmem>>, vector<1x16xf32>,
      %broadcast_in_dim3A_86 = arith.constant 0.000000e+00 : f32
      %broadcast_in_dim3A_87 = vector.broadcast %broadcast_in_dim3A_86 : f32 to vector<16xf32>
      %swap3A_88 = arith.index_cast %scan3A_44 : i32 to index
      %swap3A_89 = arith.constant 96 : index
      %swap3A_90 = tpu.vector_load %arg11[%swap3A_88, %swap3A_89] {strides = array<i32>} : memref<128x128xf32, #tpu.memory_space<vmem>>, vector<1x16xf32>,
      %swap3A_91 = vector.shape_cast %swap3A_90 : vector<1x16xf32> to vector<16xf32>
      %swap3A_92 = vector.shape_cast %broadcast_in_dim3A_87 : vector<16xf32> to vector<1x16xf32>
      tpu.vector_store %arg11[%swap3A_88, %swap3A_89], %swap3A_92 {strides = array<i32>} : memref<128x128xf32, #tpu.memory_space<vmem>>, vector<1x16xf32>,
      %broadcast_in_dim3A_93 = arith.constant 0.000000e+00 : f32
      %broadcast_in_dim3A_94 = vector.broadcast %broadcast_in_dim3A_93 : f32 to vector<16xf32>
      %swap3A_95 = arith.index_cast %scan3A_44 : i32 to index
      %swap3A_96 = arith.constant 112 : index
      %swap3A_97 = tpu.vector_load %arg11[%swap3A_95, %swap3A_96] {strides = array<i32>} : memref<128x128xf32, #tpu.memory_space<vmem>>, vector<1x16xf32>,
      %swap3A_98 = vector.shape_cast %swap3A_97 : vector<1x16xf32> to vector<16xf32>
      %swap3A_99 = vector.shape_cast %broadcast_in_dim3A_94 : vector<16xf32> to vector<1x16xf32>
      tpu.vector_store %arg11[%swap3A_95, %swap3A_96], %swap3A_99 {strides = array<i32>} : memref<128x128xf32, #tpu.memory_space<vmem>>, vector<1x16xf32>,
      %scan3A_100 = arith.constant 0 : i32
      scf.yield %scan3A_100 : i32
    }
    %scan3A_6 = arith.constant 128 : i32
    %mul3A_7 = arith.constant 640 : i32
    %mul3A_8 = arith.muli %arg1, %mul3A_7 : i32
    %add3A_9 = arith.constant 0 : i32
    %add3A_10 = arith.addi %mul3A_8, %add3A_9 : i32
    "tpu.region"() ({
      %run_scoped3A = tpu.sem_alloc : memref<!tpu.dma_semaphore, #tpu.memory_space<semaphore_mem>>
      %dma_start3A = arith.constant 0 : i32
      %dma_start3A_44 = tpu.memref_slice %arg12[%add3A_10, %dma_start3A] : memref<10240x128xf32, #tpu.memory_space<vmem_shared>> -> memref<128x128xf32, #tpu.memory_space<vmem_shared>>
      %dma_start3A_45 = arith.constant 0 : i32
      %dma_start3A_46 = tpu.memref_slice %arg12[%add3A_10, %dma_start3A_45] : memref<10240x128xf32, #tpu.memory_space<vmem_shared>> -> memref<128x128xf32, #tpu.memory_space<vmem_shared>>
      tpu.enqueue_dma source(%arg11 : memref<128x128xf32, #tpu.memory_space<vmem>>) target(%dma_start3A_46 : memref<128x128xf32, #tpu.memory_space<vmem_shared>>) target_semaphore(%run_scoped3A : memref<!tpu.dma_semaphore, #tpu.memory_space<semaphore_mem>>)
      %dma_wait3A = arith.constant 0 : i32
      %dma_wait3A_47 = tpu.memref_slice %arg12[%add3A_10, %dma_wait3A] : memref<10240x128xf32, #tpu.memory_space<vmem_shared>> -> memref<128x128xf32, #tpu.memory_space<vmem_shared>>
      %dma_wait3A_48 = arith.constant 0 : i32
      %dma_wait3A_49 = tpu.memref_slice %arg12[%add3A_10, %dma_wait3A_48] : memref<10240x128xf32, #tpu.memory_space<vmem_shared>> -> memref<128x128xf32, #tpu.memory_space<vmem_shared>>
      tpu.wait_dma2 semaphore(%run_scoped3A : memref<!tpu.dma_semaphore, #tpu.memory_space<semaphore_mem>>) src(%arg11 : memref<128x128xf32, #tpu.memory_space<vmem>>) dst(%dma_wait3A_49 : memref<128x128xf32, #tpu.memory_space<vmem_shared>>)
      tpu.yield
    }) : () -> ()
    %mul3A_11 = arith.constant 640 : i32
    %mul3A_12 = arith.muli %arg1, %mul3A_11 : i32
    %add3A_13 = arith.constant 128 : i32
    %add3A_14 = arith.addi %mul3A_12, %add3A_13 : i32
    "tpu.region"() ({
      %run_scoped3A = tpu.sem_alloc : memref<!tpu.dma_semaphore, #tpu.memory_space<semaphore_mem>>
      %dma_start3A = arith.constant 0 : i32
      %dma_start3A_44 = tpu.memref_slice %arg12[%add3A_14, %dma_start3A] : memref<10240x128xf32, #tpu.memory_space<vmem_shared>> -> memref<128x128xf32, #tpu.memory_space<vmem_shared>>
      %dma_start3A_45 = arith.constant 0 : i32
      %dma_start3A_46 = tpu.memref_slice %arg12[%add3A_14, %dma_start3A_45] : memref<10240x128xf32, #tpu.memory_space<vmem_shared>> -> memref<128x128xf32, #tpu.memory_space<vmem_shared>>
      tpu.enqueue_dma source(%arg11 : memref<128x128xf32, #tpu.memory_space<vmem>>) target(%dma_start3A_46 : memref<128x128xf32, #tpu.memory_space<vmem_shared>>) target_semaphore(%run_scoped3A : memref<!tpu.dma_semaphore, #tpu.memory_space<semaphore_mem>>)
      %dma_wait3A = arith.constant 0 : i32
      %dma_wait3A_47 = tpu.memref_slice %arg12[%add3A_14, %dma_wait3A] : memref<10240x128xf32, #tpu.memory_space<vmem_shared>> -> memref<128x128xf32, #tpu.memory_space<vmem_shared>>
      %dma_wait3A_48 = arith.constant 0 : i32
      %dma_wait3A_49 = tpu.memref_slice %arg12[%add3A_14, %dma_wait3A_48] : memref<10240x128xf32, #tpu.memory_space<vmem_shared>> -> memref<128x128xf32, #tpu.memory_space<vmem_shared>>
      tpu.wait_dma2 semaphore(%run_scoped3A : memref<!tpu.dma_semaphore, #tpu.memory_space<semaphore_mem>>) src(%arg11 : memref<128x128xf32, #tpu.memory_space<vmem>>) dst(%dma_wait3A_49 : memref<128x128xf32, #tpu.memory_space<vmem_shared>>)
      tpu.yield
    }) : () -> ()
    %mul3A_15 = arith.constant 640 : i32
    %mul3A_16 = arith.muli %arg1, %mul3A_15 : i32
    %add3A_17 = arith.constant 256 : i32
    %add3A_18 = arith.addi %mul3A_16, %add3A_17 : i32
    "tpu.region"() ({
      %run_scoped3A = tpu.sem_alloc : memref<!tpu.dma_semaphore, #tpu.memory_space<semaphore_mem>>
      %dma_start3A = arith.constant 0 : i32
      %dma_start3A_44 = tpu.memref_slice %arg12[%add3A_18, %dma_start3A] : memref<10240x128xf32, #tpu.memory_space<vmem_shared>> -> memref<128x128xf32, #tpu.memory_space<vmem_shared>>
      %dma_start3A_45 = arith.constant 0 : i32
      %dma_start3A_46 = tpu.memref_slice %arg12[%add3A_18, %dma_start3A_45] : memref<10240x128xf32, #tpu.memory_space<vmem_shared>> -> memref<128x128xf32, #tpu.memory_space<vmem_shared>>
      tpu.enqueue_dma source(%arg11 : memref<128x128xf32, #tpu.memory_space<vmem>>) target(%dma_start3A_46 : memref<128x128xf32, #tpu.memory_space<vmem_shared>>) target_semaphore(%run_scoped3A : memref<!tpu.dma_semaphore, #tpu.memory_space<semaphore_mem>>)
      %dma_wait3A = arith.constant 0 : i32
      %dma_wait3A_47 = tpu.memref_slice %arg12[%add3A_18, %dma_wait3A] : memref<10240x128xf32, #tpu.memory_space<vmem_shared>> -> memref<128x128xf32, #tpu.memory_space<vmem_shared>>
      %dma_wait3A_48 = arith.constant 0 : i32
      %dma_wait3A_49 = tpu.memref_slice %arg12[%add3A_18, %dma_wait3A_48] : memref<10240x128xf32, #tpu.memory_space<vmem_shared>> -> memref<128x128xf32, #tpu.memory_space<vmem_shared>>
      tpu.wait_dma2 semaphore(%run_scoped3A : memref<!tpu.dma_semaphore, #tpu.memory_space<semaphore_mem>>) src(%arg11 : memref<128x128xf32, #tpu.memory_space<vmem>>) dst(%dma_wait3A_49 : memref<128x128xf32, #tpu.memory_space<vmem_shared>>)
      tpu.yield
    }) : () -> ()
    %mul3A_19 = arith.constant 640 : i32
    %mul3A_20 = arith.muli %arg1, %mul3A_19 : i32
    %add3A_21 = arith.constant 384 : i32
    %add3A_22 = arith.addi %mul3A_20, %add3A_21 : i32
    "tpu.region"() ({
      %run_scoped3A = tpu.sem_alloc : memref<!tpu.dma_semaphore, #tpu.memory_space<semaphore_mem>>
      %dma_start3A = arith.constant 0 : i32
      %dma_start3A_44 = tpu.memref_slice %arg12[%add3A_22, %dma_start3A] : memref<10240x128xf32, #tpu.memory_space<vmem_shared>> -> memref<128x128xf32, #tpu.memory_space<vmem_shared>>
      %dma_start3A_45 = arith.constant 0 : i32
      %dma_start3A_46 = tpu.memref_slice %arg12[%add3A_22, %dma_start3A_45] : memref<10240x128xf32, #tpu.memory_space<vmem_shared>> -> memref<128x128xf32, #tpu.memory_space<vmem_shared>>
      tpu.enqueue_dma source(%arg11 : memref<128x128xf32, #tpu.memory_space<vmem>>) target(%dma_start3A_46 : memref<128x128xf32, #tpu.memory_space<vmem_shared>>) target_semaphore(%run_scoped3A : memref<!tpu.dma_semaphore, #tpu.memory_space<semaphore_mem>>)
      %dma_wait3A = arith.constant 0 : i32
      %dma_wait3A_47 = tpu.memref_slice %arg12[%add3A_22, %dma_wait3A] : memref<10240x128xf32, #tpu.memory_space<vmem_shared>> -> memref<128x128xf32, #tpu.memory_space<vmem_shared>>
      %dma_wait3A_48 = arith.constant 0 : i32
      %dma_wait3A_49 = tpu.memref_slice %arg12[%add3A_22, %dma_wait3A_48] : memref<10240x128xf32, #tpu.memory_space<vmem_shared>> -> memref<128x128xf32, #tpu.memory_space<vmem_shared>>
      tpu.wait_dma2 semaphore(%run_scoped3A : memref<!tpu.dma_semaphore, #tpu.memory_space<semaphore_mem>>) src(%arg11 : memref<128x128xf32, #tpu.memory_space<vmem>>) dst(%dma_wait3A_49 : memref<128x128xf32, #tpu.memory_space<vmem_shared>>)
      tpu.yield
    }) : () -> ()
    %mul3A_23 = arith.constant 640 : i32
    %mul3A_24 = arith.muli %arg1, %mul3A_23 : i32
    %add3A_25 = arith.constant 512 : i32
    %add3A_26 = arith.addi %mul3A_24, %add3A_25 : i32
    "tpu.region"() ({
      %run_scoped3A = tpu.sem_alloc : memref<!tpu.dma_semaphore, #tpu.memory_space<semaphore_mem>>
      %dma_start3A = arith.constant 0 : i32
      %dma_start3A_44 = tpu.memref_slice %arg12[%add3A_26, %dma_start3A] : memref<10240x128xf32, #tpu.memory_space<vmem_shared>> -> memref<128x128xf32, #tpu.memory_space<vmem_shared>>
      %dma_start3A_45 = arith.constant 0 : i32
      %dma_start3A_46 = tpu.memref_slice %arg12[%add3A_26, %dma_start3A_45] : memref<10240x128xf32, #tpu.memory_space<vmem_shared>> -> memref<128x128xf32, #tpu.memory_space<vmem_shared>>
      tpu.enqueue_dma source(%arg11 : memref<128x128xf32, #tpu.memory_space<vmem>>) target(%dma_start3A_46 : memref<128x128xf32, #tpu.memory_space<vmem_shared>>) target_semaphore(%run_scoped3A : memref<!tpu.dma_semaphore, #tpu.memory_space<semaphore_mem>>)
      %dma_wait3A = arith.constant 0 : i32
      %dma_wait3A_47 = tpu.memref_slice %arg12[%add3A_26, %dma_wait3A] : memref<10240x128xf32, #tpu.memory_space<vmem_shared>> -> memref<128x128xf32, #tpu.memory_space<vmem_shared>>
      %dma_wait3A_48 = arith.constant 0 : i32
      %dma_wait3A_49 = tpu.memref_slice %arg12[%add3A_26, %dma_wait3A_48] : memref<10240x128xf32, #tpu.memory_space<vmem_shared>> -> memref<128x128xf32, #tpu.memory_space<vmem_shared>>
      tpu.wait_dma2 semaphore(%run_scoped3A : memref<!tpu.dma_semaphore, #tpu.memory_space<semaphore_mem>>) src(%arg11 : memref<128x128xf32, #tpu.memory_space<vmem>>) dst(%dma_wait3A_49 : memref<128x128xf32, #tpu.memory_space<vmem_shared>>)
      tpu.yield
    }) : () -> ()
    %barrier3A = arith.constant 0 : index
    tpu.barrier barrier_id(%barrier3A)
    %mul3A_27 = arith.constant 10000 : i32
    %mul3A_28 = arith.muli %add3A, %mul3A_27 : i32
    %scan3A_29 = arith.constant 0 : i32
    %scan3A_30 = arith.constant 0 : i32
    %scan3A_31 = arith.constant 125 : i32
    %scan3A_32 = arith.addi %scan3A_30, %scan3A_31 : i32
    %scan3A_33 = arith.constant 1 : i32
    %scan3A_34 = scf.for %scan3A_44 = %scan3A_30 to %scan3A_32 step %scan3A_33 iter_args(%scan3A_45 = %scan3A_29) -> (i32)  : i32 {
      %mul3A_46 = arith.constant 80 : i32
      %mul3A_47 = arith.muli %scan3A_44, %mul3A_46 : i32
      %add3A_48 = arith.addi %mul3A_28, %mul3A_47 : i32
      "tpu.region"() ({
        %run_scoped3A = tpu.sem_alloc : memref<!tpu.dma_semaphore, #tpu.memory_space<semaphore_mem>>
        %dma_start3A_61 = tpu.memref_slice %arg4[%add3A_48] : memref<320000xi32, #tpu.memory_space<hbm>> -> memref<80xi32, #tpu.memory_space<hbm>>
        %dma_start3A_62 = tpu.memref_slice %arg4[%add3A_48] : memref<320000xi32, #tpu.memory_space<hbm>> -> memref<80xi32, #tpu.memory_space<hbm>>
        tpu.enqueue_dma source(%dma_start3A_62 : memref<80xi32, #tpu.memory_space<hbm>>) target(%arg7 : memref<80xi32, #tpu.memory_space<vmem>>) target_semaphore(%run_scoped3A : memref<!tpu.dma_semaphore, #tpu.memory_space<semaphore_mem>>)
        %dma_wait3A_63 = tpu.memref_slice %arg4[%add3A_48] : memref<320000xi32, #tpu.memory_space<hbm>> -> memref<80xi32, #tpu.memory_space<hbm>>
        %dma_wait3A_64 = tpu.memref_slice %arg4[%add3A_48] : memref<320000xi32, #tpu.memory_space<hbm>> -> memref<80xi32, #tpu.memory_space<hbm>>
        tpu.wait_dma2 semaphore(%run_scoped3A : memref<!tpu.dma_semaphore, #tpu.memory_space<semaphore_mem>>) src(%dma_wait3A_64 : memref<80xi32, #tpu.memory_space<hbm>>) dst(%arg7 : memref<80xi32, #tpu.memory_space<vmem>>)
        tpu.yield
      }) : () -> ()
      "tpu.region"() ({
        %run_scoped3A = tpu.sem_alloc : memref<!tpu.dma_semaphore, #tpu.memory_space<semaphore_mem>>
        %dma_start3A_61 = tpu.memref_slice %arg5[%add3A_48] : memref<320000xi32, #tpu.memory_space<hbm>> -> memref<80xi32, #tpu.memory_space<hbm>>
        %dma_start3A_62 = tpu.memref_slice %arg5[%add3A_48] : memref<320000xi32, #tpu.memory_space<hbm>> -> memref<80xi32, #tpu.memory_space<hbm>>
        tpu.enqueue_dma source(%dma_start3A_62 : memref<80xi32, #tpu.memory_space<hbm>>) target(%arg8 : memref<80xi32, #tpu.memory_space<vmem>>) target_semaphore(%run_scoped3A : memref<!tpu.dma_semaphore, #tpu.memory_space<semaphore_mem>>)
        %dma_wait3A_63 = tpu.memref_slice %arg5[%add3A_48] : memref<320000xi32, #tpu.memory_space<hbm>> -> memref<80xi32, #tpu.memory_space<hbm>>
        %dma_wait3A_64 = tpu.memref_slice %arg5[%add3A_48] : memref<320000xi32, #tpu.memory_space<hbm>> -> memref<80xi32, #tpu.memory_space<hbm>>
        tpu.wait_dma2 semaphore(%run_scoped3A : memref<!tpu.dma_semaphore, #tpu.memory_space<semaphore_mem>>) src(%dma_wait3A_64 : memref<80xi32, #tpu.memory_space<hbm>>) dst(%arg8 : memref<80xi32, #tpu.memory_space<vmem>>)
        tpu.yield
      }) : () -> ()
      %dma_start3A = arith.constant 0 : i32
      %dma_start3A_49 = arith.constant 0 : i32
      %dma_start3A_50 = tpu.memref_slice %arg2[%dma_start3A, %dma_start3A_49] : memref<10000x128xf32, #tpu.memory_space<hbm>> -> memref<10000x128xf32, #tpu.memory_space<hbm>>
      tpu.enqueue_indirect_dma source(%dma_start3A_50 : memref<10000x128xf32, #tpu.memory_space<hbm>>) target(%arg9 : memref<80x128xf32, #tpu.memory_space<vmem>>) offsets(%arg7 : memref<80xi32, #tpu.memory_space<vmem>>) semaphore(%arg13 : memref<!tpu.dma_semaphore, #tpu.memory_space<semaphore_mem>>)
      %dma_wait3A = arith.constant 0 : i32
      %dma_wait3A_51 = arith.constant 0 : i32
      %dma_wait3A_52 = tpu.memref_slice %arg2[%dma_wait3A, %dma_wait3A_51] : memref<10000x128xf32, #tpu.memory_space<hbm>> -> memref<10000x128xf32, #tpu.memory_space<hbm>>
      tpu.wait_indirect_dma semaphore(%arg13 : memref<!tpu.dma_semaphore, #tpu.memory_space<semaphore_mem>>) src(%dma_wait3A_52 : memref<10000x128xf32, #tpu.memory_space<hbm>>) dst(%arg9 : memref<80x128xf32, #tpu.memory_space<vmem>>)
      "tpu.region"() ({
        %run_scoped3A = tpu.sem_alloc : memref<!tpu.dma_semaphore, #tpu.memory_space<semaphore_mem>>
        %dma_start3A_61 = arith.constant 0 : i32
        %dma_start3A_62 = tpu.memref_slice %arg3[%add3A_48, %dma_start3A_61] : memref<320000x128xf32, #tpu.memory_space<hbm>> -> memref<80x128xf32, #tpu.memory_space<hbm>>
        %dma_start3A_63 = arith.constant 0 : i32
        %dma_start3A_64 = tpu.memref_slice %arg3[%add3A_48, %dma_start3A_63] : memref<320000x128xf32, #tpu.memory_space<hbm>> -> memref<80x128xf32, #tpu.memory_space<hbm>>
        tpu.enqueue_dma source(%dma_start3A_64 : memref<80x128xf32, #tpu.memory_space<hbm>>) target(%arg10 : memref<80x128xf32, #tpu.memory_space<vmem>>) target_semaphore(%run_scoped3A : memref<!tpu.dma_semaphore, #tpu.memory_space<semaphore_mem>>)
        %dma_wait3A_65 = arith.constant 0 : i32
        %dma_wait3A_66 = tpu.memref_slice %arg3[%add3A_48, %dma_wait3A_65] : memref<320000x128xf32, #tpu.memory_space<hbm>> -> memref<80x128xf32, #tpu.memory_space<hbm>>
        %dma_wait3A_67 = arith.constant 0 : i32
        %dma_wait3A_68 = tpu.memref_slice %arg3[%add3A_48, %dma_wait3A_67] : memref<320000x128xf32, #tpu.memory_space<hbm>> -> memref<80x128xf32, #tpu.memory_space<hbm>>
        tpu.wait_dma2 semaphore(%run_scoped3A : memref<!tpu.dma_semaphore, #tpu.memory_space<semaphore_mem>>) src(%dma_wait3A_68 : memref<80x128xf32, #tpu.memory_space<hbm>>) dst(%arg10 : memref<80x128xf32, #tpu.memory_space<vmem>>)
        tpu.yield
      }) : () -> ()
      %scan3A_53 = arith.constant 0 : i32
      %scan3A_54 = arith.constant 0 : i32
      %scan3A_55 = arith.constant 80 : i32
      %scan3A_56 = arith.addi %scan3A_54, %scan3A_55 : i32
      %scan3A_57 = arith.constant 1 : i32
      %scan3A_58 = scf.for %scan3A_61 = %scan3A_54 to %scan3A_56 step %scan3A_57 iter_args(%scan3A_62 = %scan3A_53) -> (i32)  : i32 {
        %get3A = arith.index_cast %scan3A_61 : i32 to index
        %get3A_63 = arith.constant 0 : index
        %get3A_64 = tpu.vector_load %arg10[%get3A, %get3A_63] {strides = array<i32>} : memref<80x128xf32, #tpu.memory_space<vmem>>, vector<1x16xf32>,
        %get3A_65 = vector.shape_cast %get3A_64 : vector<1x16xf32> to vector<16xf32>
        %get3A_66 = arith.index_cast %scan3A_61 : i32 to index
        %get3A_67 = arith.constant 0 : index
        %get3A_68 = tpu.vector_load %arg9[%get3A_66, %get3A_67] {strides = array<i32>} : memref<80x128xf32, #tpu.memory_space<vmem>>, vector<1x16xf32>,
        %get3A_69 = vector.shape_cast %get3A_68 : vector<1x16xf32> to vector<16xf32>
        %mul3A_70 = arith.mulf %get3A_65, %get3A_69 : vector<16xf32>
        %swap3A = arith.index_cast %scan3A_61 : i32 to index
        %swap3A_71 = arith.constant 0 : index
        %swap3A_72 = tpu.vector_load %arg10[%swap3A, %swap3A_71] {strides = array<i32>} : memref<80x128xf32, #tpu.memory_space<vmem>>, vector<1x16xf32>,
        %swap3A_73 = vector.shape_cast %swap3A_72 : vector<1x16xf32> to vector<16xf32>
        %swap3A_74 = vector.shape_cast %mul3A_70 : vector<16xf32> to vector<1x16xf32>
        tpu.vector_store %arg10[%swap3A, %swap3A_71], %swap3A_74 {strides = array<i32>} : memref<80x128xf32, #tpu.memory_space<vmem>>, vector<1x16xf32>,
        %get3A_75 = arith.index_cast %scan3A_61 : i32 to index
        %get3A_76 = arith.constant 16 : index
        %get3A_77 = tpu.vector_load %arg10[%get3A_75, %get3A_76] {strides = array<i32>} : memref<80x128xf32, #tpu.memory_space<vmem>>, vector<1x16xf32>,
        %get3A_78 = vector.shape_cast %get3A_77 : vector<1x16xf32> to vector<16xf32>
        %get3A_79 = arith.index_cast %scan3A_61 : i32 to index
        %get3A_80 = arith.constant 16 : index
        %get3A_81 = tpu.vector_load %arg9[%get3A_79, %get3A_80] {strides = array<i32>} : memref<80x128xf32, #tpu.memory_space<vmem>>, vector<1x16xf32>,
        %get3A_82 = vector.shape_cast %get3A_81 : vector<1x16xf32> to vector<16xf32>
        %mul3A_83 = arith.mulf %get3A_78, %get3A_82 : vector<16xf32>
        %swap3A_84 = arith.index_cast %scan3A_61 : i32 to index
        %swap3A_85 = arith.constant 16 : index
        %swap3A_86 = tpu.vector_load %arg10[%swap3A_84, %swap3A_85] {strides = array<i32>} : memref<80x128xf32, #tpu.memory_space<vmem>>, vector<1x16xf32>,
        %swap3A_87 = vector.shape_cast %swap3A_86 : vector<1x16xf32> to vector<16xf32>
        %swap3A_88 = vector.shape_cast %mul3A_83 : vector<16xf32> to vector<1x16xf32>
        tpu.vector_store %arg10[%swap3A_84, %swap3A_85], %swap3A_88 {strides = array<i32>} : memref<80x128xf32, #tpu.memory_space<vmem>>, vector<1x16xf32>,
        %get3A_89 = arith.index_cast %scan3A_61 : i32 to index
        %get3A_90 = arith.constant 32 : index
        %get3A_91 = tpu.vector_load %arg10[%get3A_89, %get3A_90] {strides = array<i32>} : memref<80x128xf32, #tpu.memory_space<vmem>>, vector<1x16xf32>,
        %get3A_92 = vector.shape_cast %get3A_91 : vector<1x16xf32> to vector<16xf32>
        %get3A_93 = arith.index_cast %scan3A_61 : i32 to index
        %get3A_94 = arith.constant 32 : index
        %get3A_95 = tpu.vector_load %arg9[%get3A_93, %get3A_94] {strides = array<i32>} : memref<80x128xf32, #tpu.memory_space<vmem>>, vector<1x16xf32>,
        %get3A_96 = vector.shape_cast %get3A_95 : vector<1x16xf32> to vector<16xf32>
        %mul3A_97 = arith.mulf %get3A_92, %get3A_96 : vector<16xf32>
        %swap3A_98 = arith.index_cast %scan3A_61 : i32 to index
        %swap3A_99 = arith.constant 32 : index
        %swap3A_100 = tpu.vector_load %arg10[%swap3A_98, %swap3A_99] {strides = array<i32>} : memref<80x128xf32, #tpu.memory_space<vmem>>, vector<1x16xf32>,
        %swap3A_101 = vector.shape_cast %swap3A_100 : vector<1x16xf32> to vector<16xf32>
        %swap3A_102 = vector.shape_cast %mul3A_97 : vector<16xf32> to vector<1x16xf32>
        tpu.vector_store %arg10[%swap3A_98, %swap3A_99], %swap3A_102 {strides = array<i32>} : memref<80x128xf32, #tpu.memory_space<vmem>>, vector<1x16xf32>,
        %get3A_103 = arith.index_cast %scan3A_61 : i32 to index
        %get3A_104 = arith.constant 48 : index
        %get3A_105 = tpu.vector_load %arg10[%get3A_103, %get3A_104] {strides = array<i32>} : memref<80x128xf32, #tpu.memory_space<vmem>>, vector<1x16xf32>,
        %get3A_106 = vector.shape_cast %get3A_105 : vector<1x16xf32> to vector<16xf32>
        %get3A_107 = arith.index_cast %scan3A_61 : i32 to index
        %get3A_108 = arith.constant 48 : index
        %get3A_109 = tpu.vector_load %arg9[%get3A_107, %get3A_108] {strides = array<i32>} : memref<80x128xf32, #tpu.memory_space<vmem>>, vector<1x16xf32>,
        %get3A_110 = vector.shape_cast %get3A_109 : vector<1x16xf32> to vector<16xf32>
        %mul3A_111 = arith.mulf %get3A_106, %get3A_110 : vector<16xf32>
        %swap3A_112 = arith.index_cast %scan3A_61 : i32 to index
        %swap3A_113 = arith.constant 48 : index
        %swap3A_114 = tpu.vector_load %arg10[%swap3A_112, %swap3A_113] {strides = array<i32>} : memref<80x128xf32, #tpu.memory_space<vmem>>, vector<1x16xf32>,
        %swap3A_115 = vector.shape_cast %swap3A_114 : vector<1x16xf32> to vector<16xf32>
        %swap3A_116 = vector.shape_cast %mul3A_111 : vector<16xf32> to vector<1x16xf32>
        tpu.vector_store %arg10[%swap3A_112, %swap3A_113], %swap3A_116 {strides = array<i32>} : memref<80x128xf32, #tpu.memory_space<vmem>>, vector<1x16xf32>,
        %get3A_117 = arith.index_cast %scan3A_61 : i32 to index
        %get3A_118 = arith.constant 64 : index
        %get3A_119 = tpu.vector_load %arg10[%get3A_117, %get3A_118] {strides = array<i32>} : memref<80x128xf32, #tpu.memory_space<vmem>>, vector<1x16xf32>,
        %get3A_120 = vector.shape_cast %get3A_119 : vector<1x16xf32> to vector<16xf32>
        %get3A_121 = arith.index_cast %scan3A_61 : i32 to index
        %get3A_122 = arith.constant 64 : index
        %get3A_123 = tpu.vector_load %arg9[%get3A_121, %get3A_122] {strides = array<i32>} : memref<80x128xf32, #tpu.memory_space<vmem>>, vector<1x16xf32>,
        %get3A_124 = vector.shape_cast %get3A_123 : vector<1x16xf32> to vector<16xf32>
        %mul3A_125 = arith.mulf %get3A_120, %get3A_124 : vector<16xf32>
        %swap3A_126 = arith.index_cast %scan3A_61 : i32 to index
        %swap3A_127 = arith.constant 64 : index
        %swap3A_128 = tpu.vector_load %arg10[%swap3A_126, %swap3A_127] {strides = array<i32>} : memref<80x128xf32, #tpu.memory_space<vmem>>, vector<1x16xf32>,
        %swap3A_129 = vector.shape_cast %swap3A_128 : vector<1x16xf32> to vector<16xf32>
        %swap3A_130 = vector.shape_cast %mul3A_125 : vector<16xf32> to vector<1x16xf32>
        tpu.vector_store %arg10[%swap3A_126, %swap3A_127], %swap3A_130 {strides = array<i32>} : memref<80x128xf32, #tpu.memory_space<vmem>>, vector<1x16xf32>,
        %get3A_131 = arith.index_cast %scan3A_61 : i32 to index
        %get3A_132 = arith.constant 80 : index
        %get3A_133 = tpu.vector_load %arg10[%get3A_131, %get3A_132] {strides = array<i32>} : memref<80x128xf32, #tpu.memory_space<vmem>>, vector<1x16xf32>,
        %get3A_134 = vector.shape_cast %get3A_133 : vector<1x16xf32> to vector<16xf32>
        %get3A_135 = arith.index_cast %scan3A_61 : i32 to index
        %get3A_136 = arith.constant 80 : index
        %get3A_137 = tpu.vector_load %arg9[%get3A_135, %get3A_136] {strides = array<i32>} : memref<80x128xf32, #tpu.memory_space<vmem>>, vector<1x16xf32>,
        %get3A_138 = vector.shape_cast %get3A_137 : vector<1x16xf32> to vector<16xf32>
        %mul3A_139 = arith.mulf %get3A_134, %get3A_138 : vector<16xf32>
        %swap3A_140 = arith.index_cast %scan3A_61 : i32 to index
        %swap3A_141 = arith.constant 80 : index
        %swap3A_142 = tpu.vector_load %arg10[%swap3A_140, %swap3A_141] {strides = array<i32>} : memref<80x128xf32, #tpu.memory_space<vmem>>, vector<1x16xf32>,
        %swap3A_143 = vector.shape_cast %swap3A_142 : vector<1x16xf32> to vector<16xf32>
        %swap3A_144 = vector.shape_cast %mul3A_139 : vector<16xf32> to vector<1x16xf32>
        tpu.vector_store %arg10[%swap3A_140, %swap3A_141], %swap3A_144 {strides = array<i32>} : memref<80x128xf32, #tpu.memory_space<vmem>>, vector<1x16xf32>,
        %get3A_145 = arith.index_cast %scan3A_61 : i32 to index
        %get3A_146 = arith.constant 96 : index
        %get3A_147 = tpu.vector_load %arg10[%get3A_145, %get3A_146] {strides = array<i32>} : memref<80x128xf32, #tpu.memory_space<vmem>>, vector<1x16xf32>,
        %get3A_148 = vector.shape_cast %get3A_147 : vector<1x16xf32> to vector<16xf32>
        %get3A_149 = arith.index_cast %scan3A_61 : i32 to index
        %get3A_150 = arith.constant 96 : index
        %get3A_151 = tpu.vector_load %arg9[%get3A_149, %get3A_150] {strides = array<i32>} : memref<80x128xf32, #tpu.memory_space<vmem>>, vector<1x16xf32>,
        %get3A_152 = vector.shape_cast %get3A_151 : vector<1x16xf32> to vector<16xf32>
        %mul3A_153 = arith.mulf %get3A_148, %get3A_152 : vector<16xf32>
        %swap3A_154 = arith.index_cast %scan3A_61 : i32 to index
        %swap3A_155 = arith.constant 96 : index
        %swap3A_156 = tpu.vector_load %arg10[%swap3A_154, %swap3A_155] {strides = array<i32>} : memref<80x128xf32, #tpu.memory_space<vmem>>, vector<1x16xf32>,
        %swap3A_157 = vector.shape_cast %swap3A_156 : vector<1x16xf32> to vector<16xf32>
        %swap3A_158 = vector.shape_cast %mul3A_153 : vector<16xf32> to vector<1x16xf32>
        tpu.vector_store %arg10[%swap3A_154, %swap3A_155], %swap3A_158 {strides = array<i32>} : memref<80x128xf32, #tpu.memory_space<vmem>>, vector<1x16xf32>,
        %get3A_159 = arith.index_cast %scan3A_61 : i32 to index
        %get3A_160 = arith.constant 112 : index
        %get3A_161 = tpu.vector_load %arg10[%get3A_159, %get3A_160] {strides = array<i32>} : memref<80x128xf32, #tpu.memory_space<vmem>>, vector<1x16xf32>,
        %get3A_162 = vector.shape_cast %get3A_161 : vector<1x16xf32> to vector<16xf32>
        %get3A_163 = arith.index_cast %scan3A_61 : i32 to index
        %get3A_164 = arith.constant 112 : index
        %get3A_165 = tpu.vector_load %arg9[%get3A_163, %get3A_164] {strides = array<i32>} : memref<80x128xf32, #tpu.memory_space<vmem>>, vector<1x16xf32>,
        %get3A_166 = vector.shape_cast %get3A_165 : vector<1x16xf32> to vector<16xf32>
        %mul3A_167 = arith.mulf %get3A_162, %get3A_166 : vector<16xf32>
        %swap3A_168 = arith.index_cast %scan3A_61 : i32 to index
        %swap3A_169 = arith.constant 112 : index
        %swap3A_170 = tpu.vector_load %arg10[%swap3A_168, %swap3A_169] {strides = array<i32>} : memref<80x128xf32, #tpu.memory_space<vmem>>, vector<1x16xf32>,
        %swap3A_171 = vector.shape_cast %swap3A_170 : vector<1x16xf32> to vector<16xf32>
        %swap3A_172 = vector.shape_cast %mul3A_167 : vector<16xf32> to vector<1x16xf32>
        tpu.vector_store %arg10[%swap3A_168, %swap3A_169], %swap3A_172 {strides = array<i32>} : memref<80x128xf32, #tpu.memory_space<vmem>>, vector<1x16xf32>,
        %scan3A_173 = arith.constant 0 : i32
        scf.yield %scan3A_173 : i32
      }
      %scan3A_59 = arith.constant 80 : i32
      "tpu.region"() ({
        %run_scoped3A = tpu.sem_alloc : memref<!tpu.dma_semaphore, #tpu.memory_space<semaphore_mem>>
        %dma_start3A_61 = arith.constant 0 : i32
        %dma_start3A_62 = arith.constant 0 : i32
        %dma_start3A_63 = tpu.memref_slice %arg12[%dma_start3A_61, %dma_start3A_62] : memref<10240x128xf32, #tpu.memory_space<vmem_shared>> -> memref<10240x128xf32, #tpu.memory_space<vmem_shared>>
        tpu.enqueue_indirect_dma source(%arg10 : memref<80x128xf32, #tpu.memory_space<vmem>>) target(%dma_start3A_63 : memref<10240x128xf32, #tpu.memory_space<vmem_shared>>) offsets(%arg8 : memref<80xi32, #tpu.memory_space<vmem>>) semaphore(%run_scoped3A : memref<!tpu.dma_semaphore, #tpu.memory_space<semaphore_mem>>) {add = true}
        %dma_wait3A_64 = arith.constant 0 : i32
        %dma_wait3A_65 = arith.constant 0 : i32
        %dma_wait3A_66 = tpu.memref_slice %arg12[%dma_wait3A_64, %dma_wait3A_65] : memref<10240x128xf32, #tpu.memory_space<vmem_shared>> -> memref<10240x128xf32, #tpu.memory_space<vmem_shared>>
        tpu.wait_indirect_dma semaphore(%run_scoped3A : memref<!tpu.dma_semaphore, #tpu.memory_space<semaphore_mem>>) src(%arg10 : memref<80x128xf32, #tpu.memory_space<vmem>>) dst(%dma_wait3A_66 : memref<10240x128xf32, #tpu.memory_space<vmem_shared>>)
        tpu.yield
      }) : () -> ()
      %scan3A_60 = arith.constant 0 : i32
      scf.yield %scan3A_60 : i32
    }
    %scan3A_35 = arith.constant 125 : i32
    %barrier3A_36 = arith.constant 0 : index
    tpu.barrier barrier_id(%barrier3A_36)
    %mul3A_37 = arith.constant 640 : i32
    %mul3A_38 = arith.muli %arg1, %mul3A_37 : i32
    %mul3A_39 = arith.constant 10240 : i32
    %mul3A_40 = arith.muli %arg0, %mul3A_39 : i32
    %mul3A_41 = arith.constant 640 : i32
    %mul3A_42 = arith.muli %arg1, %mul3A_41 : i32
    %add3A_43 = arith.addi %mul3A_40, %mul3A_42 : i32
    "tpu.region"() ({
      %run_scoped3A = tpu.sem_alloc : memref<!tpu.dma_semaphore, #tpu.memory_space<semaphore_mem>>
      %dma_start3A = arith.constant 0 : i32
      %dma_start3A_44 = tpu.memref_slice %arg6[%add3A_43, %dma_start3A] : memref<20480x128xf32, #tpu.memory_space<hbm>> -> memref<640x128xf32, #tpu.memory_space<hbm>>
      %dma_start3A_45 = arith.constant 0 : i32
      %dma_start3A_46 = tpu.memref_slice %arg12[%mul3A_38, %dma_start3A_45] : memref<10240x128xf32, #tpu.memory_space<vmem_shared>> -> memref<640x128xf32, #tpu.memory_space<vmem_shared>>
      tpu.enqueue_dma source(%dma_start3A_46 : memref<640x128xf32, #tpu.memory_space<vmem_shared>>) target(%dma_start3A_44 : memref<640x128xf32, #tpu.memory_space<hbm>>) target_semaphore(%run_scoped3A : memref<!tpu.dma_semaphore, #tpu.memory_space<semaphore_mem>>)
      %dma_wait3A = arith.constant 0 : i32
      %dma_wait3A_47 = tpu.memref_slice %arg6[%add3A_43, %dma_wait3A] : memref<20480x128xf32, #tpu.memory_space<hbm>> -> memref<640x128xf32, #tpu.memory_space<hbm>>
      %dma_wait3A_48 = arith.constant 0 : i32
      %dma_wait3A_49 = tpu.memref_slice %arg12[%mul3A_38, %dma_wait3A_48] : memref<10240x128xf32, #tpu.memory_space<vmem_shared>> -> memref<640x128xf32, #tpu.memory_space<vmem_shared>>
      tpu.wait_dma2 semaphore(%run_scoped3A : memref<!tpu.dma_semaphore, #tpu.memory_space<semaphore_mem>>) src(%dma_wait3A_49 : memref<640x128xf32, #tpu.memory_space<vmem_shared>>) dst(%dma_wait3A_47 : memref<640x128xf32, #tpu.memory_space<hbm>>)
      tpu.yield
    }) : () -> ()
    return
  }
}

module attributes {stable_mosaic.version = 14 : i64} {
  func.func @_bn_leaky_body(%arg0: memref<10000x128xf32, #tpu.memory_space<vmem>>, %arg1: memref<1x128xf32, #tpu.memory_space<vmem>>, %arg2: memref<1x128xf32, #tpu.memory_space<vmem>>, %arg3: memref<10000x128xf32, #tpu.memory_space<vmem>>) attributes {dimension_semantics = [], scalar_prefetch = 0 : i64, scratch_operands = 0 : i64, tpu.core_type = #tpu.core_type<tc>} {
    %get3A = arith.constant 0 : index
    %get3A_0 = arith.constant 0 : index
    %get3A_1 = vector.load %arg0[%get3A, %get3A_0] : memref<10000x128xf32, #tpu.memory_space<vmem>>, vector<10000x128xf32>
    %reduce_sum3A = arith.constant dense<0.000000e+00> : vector<128xf32>
    %reduce_sum3A_2 = vector.multi_reduction <add>, %get3A_1, %reduce_sum3A [0] : vector<10000x128xf32> to vector<128xf32>
    %broadcast_in_dim3A = vector.shape_cast %reduce_sum3A_2 : vector<128xf32> to vector<1x128xf32>
    %div3A = arith.constant 1.000000e+04 : f32
    %div3A_3 = vector.broadcast %div3A : f32 to vector<1x128xf32>
    %div3A_4 = arith.divf %broadcast_in_dim3A, %div3A_3 : vector<1x128xf32>
    %sub3A = vector.broadcast %div3A_4 : vector<1x128xf32> to vector<10000x128xf32>
    %sub3A_5 = arith.subf %get3A_1, %sub3A : vector<10000x128xf32>
    %integer_pow3A = arith.mulf %sub3A_5, %sub3A_5 : vector<10000x128xf32>
    %reduce_sum3A_6 = arith.constant dense<0.000000e+00> : vector<128xf32>
    %reduce_sum3A_7 = vector.multi_reduction <add>, %integer_pow3A, %reduce_sum3A_6 [0] : vector<10000x128xf32> to vector<128xf32>
    %broadcast_in_dim3A_8 = vector.shape_cast %reduce_sum3A_7 : vector<128xf32> to vector<1x128xf32>
    %div3A_9 = arith.constant 1.000000e+04 : f32
    %div3A_10 = vector.broadcast %div3A_9 : f32 to vector<1x128xf32>
    %div3A_11 = arith.divf %broadcast_in_dim3A_8, %div3A_10 : vector<1x128xf32>
    %sub3A_12 = vector.broadcast %div3A_4 : vector<1x128xf32> to vector<10000x128xf32>
    %sub3A_13 = arith.subf %get3A_1, %sub3A_12 : vector<10000x128xf32>
    %add3A = arith.constant 9.99999974E-6 : f32
    %add3A_14 = vector.broadcast %add3A : f32 to vector<1x128xf32>
    %add3A_15 = arith.addf %div3A_11, %add3A_14 : vector<1x128xf32>
    %sqrt3A = math.sqrt %add3A_15 : vector<1x128xf32>
    %div3A_16 = vector.broadcast %sqrt3A : vector<1x128xf32> to vector<10000x128xf32>
    %div3A_17 = arith.divf %sub3A_13, %div3A_16 : vector<10000x128xf32>
    %get3A_18 = arith.constant 0 : index
    %get3A_19 = arith.constant 0 : index
    %get3A_20 = vector.load %arg1[%get3A_18, %get3A_19] : memref<1x128xf32, #tpu.memory_space<vmem>>, vector<1x128xf32>
    %mul3A = vector.broadcast %get3A_20 : vector<1x128xf32> to vector<10000x128xf32>
    %mul3A_21 = arith.mulf %div3A_17, %mul3A : vector<10000x128xf32>
    %get3A_22 = arith.constant 0 : index
    %get3A_23 = arith.constant 0 : index
    %get3A_24 = vector.load %arg2[%get3A_22, %get3A_23] : memref<1x128xf32, #tpu.memory_space<vmem>>, vector<1x128xf32>
    %add3A_25 = vector.broadcast %get3A_24 : vector<1x128xf32> to vector<10000x128xf32>
    %add3A_26 = arith.addf %mul3A_21, %add3A_25 : vector<10000x128xf32>
    %gt3A = arith.constant 0.000000e+00 : f32
    %gt3A_27 = vector.broadcast %gt3A : f32 to vector<10000x128xf32>
    %gt3A_28 = arith.cmpf ogt, %add3A_26, %gt3A_27 : vector<10000x128xf32>
    %mul3A_29 = arith.constant 0.00999999977 : f32
    %mul3A_30 = vector.broadcast %mul3A_29 : f32 to vector<10000x128xf32>
    %mul3A_31 = arith.mulf %mul3A_30, %add3A_26 : vector<10000x128xf32>
    %select_n3A = arith.select %gt3A_28, %add3A_26, %mul3A_31 : vector<10000x128xi1>, vector<10000x128xf32>
    %swap3A = arith.constant 0 : index
    %swap3A_32 = arith.constant 0 : index
    %swap3A_33 = vector.load %arg3[%swap3A, %swap3A_32] : memref<10000x128xf32, #tpu.memory_space<vmem>>, vector<10000x128xf32>
    tpu.vector_store %arg3[%swap3A, %swap3A_32], %select_n3A {strides = array<i32>} : memref<10000x128xf32, #tpu.memory_space<vmem>>, vector<10000x128xf32>,
    return
  }
}

module attributes {stable_mosaic.version = 14 : i64} {
  func.func @_edge_w_body(%arg0: i32, %arg1: memref<3200x16xf32, #tpu.memory_space<vmem>>, %arg2: memref<16x8xf32, #tpu.memory_space<vmem>>, %arg3: memref<1x8xf32, #tpu.memory_space<vmem>>, %arg4: memref<8x128xf32, #tpu.memory_space<vmem>>, %arg5: memref<1x128xf32, #tpu.memory_space<vmem>>, %arg6: memref<3200x128xf32, #tpu.memory_space<vmem>>) attributes {dimension_semantics = [#tpu.dimension_semantics<arbitrary>], iteration_bounds = array<i64: 100>, scalar_prefetch = 0 : i64, scratch_operands = 0 : i64, tpu.core_type = #tpu.core_type<tc>, window_params = [{transform_indices = @transform_0, window_bounds = array<i64: 3200, 16>}, {pipeline_mode = #tpu.pipeline_mode<synchronous>, transform_indices = @transform_1, window_bounds = array<i64: 16, 8>}, {pipeline_mode = #tpu.pipeline_mode<synchronous>, transform_indices = @transform_2, window_bounds = array<i64: 1, 8>}, {pipeline_mode = #tpu.pipeline_mode<synchronous>, transform_indices = @transform_3, window_bounds = array<i64: 8, 128>}, {pipeline_mode = #tpu.pipeline_mode<synchronous>, transform_indices = @transform_4, window_bounds = array<i64: 1, 128>}, {transform_indices = @transform_5, window_bounds = array<i64: 3200, 128>}]} {
    %get3A = arith.constant 0 : index
    %get3A_0 = arith.constant 0 : index
    %get3A_1 = vector.load %arg1[%get3A, %get3A_0] : memref<3200x16xf32, #tpu.memory_space<vmem>>, vector<3200x16xf32>
    %get3A_2 = arith.constant 0 : index
    %get3A_3 = arith.constant 0 : index
    %get3A_4 = vector.load %arg2[%get3A_2, %get3A_3] : memref<16x8xf32, #tpu.memory_space<vmem>>, vector<16x8xf32>
    %dot_general3A = arith.constant dense<0.000000e+00> : vector<3200x8xf32>
    %dot_general3A_5 = tpu.matmul %get3A_1, %get3A_4, %dot_general3A {dimension_numbers = #tpu.dot_dimension_numbers<[1], [0], [0], [1], [0, 0, 1, 1], [], []>, transpose_lhs_hint = false} : vector<3200x16xf32>, vector<16x8xf32>, vector<3200x8xf32> -> vector<3200x8xf32>
    %get3A_6 = arith.constant 0 : index
    %get3A_7 = arith.constant 0 : index
    %get3A_8 = vector.load %arg3[%get3A_6, %get3A_7] : memref<1x8xf32, #tpu.memory_space<vmem>>, vector<1x8xf32>
    %add3A = vector.broadcast %get3A_8 : vector<1x8xf32> to vector<3200x8xf32>
    %add3A_9 = arith.addf %dot_general3A_5, %add3A : vector<3200x8xf32>
    %gt3A = arith.constant 0.000000e+00 : f32
    %gt3A_10 = vector.broadcast %gt3A : f32 to vector<3200x8xf32>
    %gt3A_11 = arith.cmpf ogt, %add3A_9, %gt3A_10 : vector<3200x8xf32>
    %mul3A = arith.constant 0.00999999977 : f32
    %mul3A_12 = vector.broadcast %mul3A : f32 to vector<3200x8xf32>
    %mul3A_13 = arith.mulf %mul3A_12, %add3A_9 : vector<3200x8xf32>
    %select_n3A = arith.select %gt3A_11, %add3A_9, %mul3A_13 : vector<3200x8xi1>, vector<3200x8xf32>
    %get3A_14 = arith.constant 0 : index
    %get3A_15 = arith.constant 0 : index
    %get3A_16 = vector.load %arg4[%get3A_14, %get3A_15] : memref<8x128xf32, #tpu.memory_space<vmem>>, vector<8x128xf32>
    %dot_general3A_17 = arith.constant dense<0.000000e+00> : vector<3200x128xf32>
    %dot_general3A_18 = tpu.matmul %select_n3A, %get3A_16, %dot_general3A_17 {dimension_numbers = #tpu.dot_dimension_numbers<[1], [0], [0], [1], [0, 0, 1, 1], [], []>, transpose_lhs_hint = false} : vector<3200x8xf32>, vector<8x128xf32>, vector<3200x128xf32> -> vector<3200x128xf32>
    %get3A_19 = arith.constant 0 : index
    %get3A_20 = arith.constant 0 : index
    %get3A_21 = vector.load %arg5[%get3A_19, %get3A_20] : memref<1x128xf32, #tpu.memory_space<vmem>>, vector<1x128xf32>
    %add3A_22 = vector.broadcast %get3A_21 : vector<1x128xf32> to vector<3200x128xf32>
    %add3A_23 = arith.addf %dot_general3A_18, %add3A_22 : vector<3200x128xf32>
    %gt3A_24 = arith.constant 0.000000e+00 : f32
    %gt3A_25 = vector.broadcast %gt3A_24 : f32 to vector<3200x128xf32>
    %gt3A_26 = arith.cmpf ogt, %add3A_23, %gt3A_25 : vector<3200x128xf32>
    %exp3A = math.exp %add3A_23 : vector<3200x128xf32>
    %sub3A = arith.constant 1.000000e+00 : f32
    %sub3A_27 = vector.broadcast %sub3A : f32 to vector<3200x128xf32>
    %sub3A_28 = arith.subf %exp3A, %sub3A_27 : vector<3200x128xf32>
    %select_n3A_29 = arith.select %gt3A_26, %add3A_23, %sub3A_28 : vector<3200x128xi1>, vector<3200x128xf32>
    %swap3A = arith.constant 0 : index
    %swap3A_30 = arith.constant 0 : index
    %swap3A_31 = vector.load %arg6[%swap3A, %swap3A_30] : memref<3200x128xf32, #tpu.memory_space<vmem>>, vector<3200x128xf32>
    tpu.vector_store %arg6[%swap3A, %swap3A_30], %select_n3A_29 {strides = array<i32>} : memref<3200x128xf32, #tpu.memory_space<vmem>>, vector<3200x128xf32>,
    return
  }
  func.func @transform_0(%arg0: i32) -> (i32, i32) {
    %c0_i32 = arith.constant 0 : i32
    %c0_i32_0 = arith.constant 0 : i32
    return %arg0, %c0_i32 : i32, i32
  }
  func.func @transform_1(%arg0: i32) -> (i32, i32) {
    %c0_i32 = arith.constant 0 : i32
    %c0_i32_0 = arith.constant 0 : i32
    %c0_i32_1 = arith.constant 0 : i32
    return %c0_i32, %c0_i32_0 : i32, i32
  }
  func.func @transform_2(%arg0: i32) -> (i32, i32) {
    %c0_i32 = arith.constant 0 : i32
    %c0_i32_0 = arith.constant 0 : i32
    %c0_i32_1 = arith.constant 0 : i32
    return %c0_i32, %c0_i32_0 : i32, i32
  }
  func.func @transform_3(%arg0: i32) -> (i32, i32) {
    %c0_i32 = arith.constant 0 : i32
    %c0_i32_0 = arith.constant 0 : i32
    %c0_i32_1 = arith.constant 0 : i32
    return %c0_i32, %c0_i32_0 : i32, i32
  }
  func.func @transform_4(%arg0: i32) -> (i32, i32) {
    %c0_i32 = arith.constant 0 : i32
    %c0_i32_0 = arith.constant 0 : i32
    %c0_i32_1 = arith.constant 0 : i32
    return %c0_i32, %c0_i32_0 : i32, i32
  }
  func.func @transform_5(%arg0: i32) -> (i32, i32) {
    %c0_i32 = arith.constant 0 : i32
    %c0_i32_0 = arith.constant 0 : i32
    return %arg0, %c0_i32 : i32, i32
  }
}

module attributes {stable_mosaic.version = 14 : i64} {
  func.func @_mlp_bn_body(%arg0: memref<20480x128xf32, #tpu.memory_space<vmem>>, %arg1: memref<10000x128xf32, #tpu.memory_space<vmem>>, %arg2: memref<128x128xf32, #tpu.memory_space<vmem>>, %arg3: memref<1x128xf32, #tpu.memory_space<vmem>>, %arg4: memref<128x128xf32, #tpu.memory_space<vmem>>, %arg5: memref<1x128xf32, #tpu.memory_space<vmem>>, %arg6: memref<1x128xf32, #tpu.memory_space<vmem>>, %arg7: memref<1x128xf32, #tpu.memory_space<vmem>>, %arg8: memref<10000x128xf32, #tpu.memory_space<vmem>>) attributes {dimension_semantics = [], scalar_prefetch = 0 : i64, scratch_operands = 0 : i64, tpu.core_type = #tpu.core_type<tc>} {
    %get3A = arith.constant 0 : index
    %get3A_0 = arith.constant 0 : index
    %get3A_1 = vector.load %arg0[%get3A, %get3A_0] : memref<20480x128xf32, #tpu.memory_space<vmem>>, vector<10000x128xf32>
    %get3A_2 = arith.constant 10240 : index
    %get3A_3 = arith.constant 0 : index
    %get3A_4 = vector.load %arg0[%get3A_2, %get3A_3] : memref<20480x128xf32, #tpu.memory_space<vmem>>, vector<10000x128xf32>
    %add3A = arith.addf %get3A_1, %get3A_4 : vector<10000x128xf32>
    %get3A_5 = arith.constant 0 : index
    %get3A_6 = arith.constant 0 : index
    %get3A_7 = vector.load %arg1[%get3A_5, %get3A_6] : memref<10000x128xf32, #tpu.memory_space<vmem>>, vector<10000x128xf32>
    %add3A_8 = arith.addf %add3A, %get3A_7 : vector<10000x128xf32>
    %get3A_9 = arith.constant 0 : index
    %get3A_10 = arith.constant 0 : index
    %get3A_11 = vector.load %arg2[%get3A_9, %get3A_10] : memref<128x128xf32, #tpu.memory_space<vmem>>, vector<128x128xf32>
    %dot_general3A = arith.constant dense<0.000000e+00> : vector<10000x128xf32>
    %dot_general3A_12 = tpu.matmul %add3A_8, %get3A_11, %dot_general3A {dimension_numbers = #tpu.dot_dimension_numbers<[1], [0], [0], [1], [0, 0, 1, 1], [], []>, transpose_lhs_hint = false} : vector<10000x128xf32>, vector<128x128xf32>, vector<10000x128xf32> -> vector<10000x128xf32>
    %get3A_13 = arith.constant 0 : index
    %get3A_14 = arith.constant 0 : index
    %get3A_15 = vector.load %arg3[%get3A_13, %get3A_14] : memref<1x128xf32, #tpu.memory_space<vmem>>, vector<1x128xf32>
    %add3A_16 = vector.broadcast %get3A_15 : vector<1x128xf32> to vector<10000x128xf32>
    %add3A_17 = arith.addf %dot_general3A_12, %add3A_16 : vector<10000x128xf32>
    %gt3A = arith.constant 0.000000e+00 : f32
    %gt3A_18 = vector.broadcast %gt3A : f32 to vector<10000x128xf32>
    %gt3A_19 = arith.cmpf ogt, %add3A_17, %gt3A_18 : vector<10000x128xf32>
    %mul3A = arith.constant 0.00999999977 : f32
    %mul3A_20 = vector.broadcast %mul3A : f32 to vector<10000x128xf32>
    %mul3A_21 = arith.mulf %mul3A_20, %add3A_17 : vector<10000x128xf32>
    %select_n3A = arith.select %gt3A_19, %add3A_17, %mul3A_21 : vector<10000x128xi1>, vector<10000x128xf32>
    %get3A_22 = arith.constant 0 : index
    %get3A_23 = arith.constant 0 : index
    %get3A_24 = vector.load %arg4[%get3A_22, %get3A_23] : memref<128x128xf32, #tpu.memory_space<vmem>>, vector<128x128xf32>
    %dot_general3A_25 = arith.constant dense<0.000000e+00> : vector<10000x128xf32>
    %dot_general3A_26 = tpu.matmul %select_n3A, %get3A_24, %dot_general3A_25 {dimension_numbers = #tpu.dot_dimension_numbers<[1], [0], [0], [1], [0, 0, 1, 1], [], []>, transpose_lhs_hint = false} : vector<10000x128xf32>, vector<128x128xf32>, vector<10000x128xf32> -> vector<10000x128xf32>
    %get3A_27 = arith.constant 0 : index
    %get3A_28 = arith.constant 0 : index
    %get3A_29 = vector.load %arg5[%get3A_27, %get3A_28] : memref<1x128xf32, #tpu.memory_space<vmem>>, vector<1x128xf32>
    %add3A_30 = vector.broadcast %get3A_29 : vector<1x128xf32> to vector<10000x128xf32>
    %add3A_31 = arith.addf %dot_general3A_26, %add3A_30 : vector<10000x128xf32>
    %reduce_sum3A = arith.constant dense<0.000000e+00> : vector<128xf32>
    %reduce_sum3A_32 = vector.multi_reduction <add>, %add3A_31, %reduce_sum3A [0] : vector<10000x128xf32> to vector<128xf32>
    %broadcast_in_dim3A = vector.shape_cast %reduce_sum3A_32 : vector<128xf32> to vector<1x128xf32>
    %div3A = arith.constant 1.000000e+04 : f32
    %div3A_33 = vector.broadcast %div3A : f32 to vector<1x128xf32>
    %div3A_34 = arith.divf %broadcast_in_dim3A, %div3A_33 : vector<1x128xf32>
    %sub3A = vector.broadcast %div3A_34 : vector<1x128xf32> to vector<10000x128xf32>
    %sub3A_35 = arith.subf %add3A_31, %sub3A : vector<10000x128xf32>
    %integer_pow3A = arith.mulf %sub3A_35, %sub3A_35 : vector<10000x128xf32>
    %reduce_sum3A_36 = arith.constant dense<0.000000e+00> : vector<128xf32>
    %reduce_sum3A_37 = vector.multi_reduction <add>, %integer_pow3A, %reduce_sum3A_36 [0] : vector<10000x128xf32> to vector<128xf32>
    %broadcast_in_dim3A_38 = vector.shape_cast %reduce_sum3A_37 : vector<128xf32> to vector<1x128xf32>
    %div3A_39 = arith.constant 1.000000e+04 : f32
    %div3A_40 = vector.broadcast %div3A_39 : f32 to vector<1x128xf32>
    %div3A_41 = arith.divf %broadcast_in_dim3A_38, %div3A_40 : vector<1x128xf32>
    %sub3A_42 = vector.broadcast %div3A_34 : vector<1x128xf32> to vector<10000x128xf32>
    %sub3A_43 = arith.subf %add3A_31, %sub3A_42 : vector<10000x128xf32>
    %add3A_44 = arith.constant 9.99999974E-6 : f32
    %add3A_45 = vector.broadcast %add3A_44 : f32 to vector<1x128xf32>
    %add3A_46 = arith.addf %div3A_41, %add3A_45 : vector<1x128xf32>
    %sqrt3A = math.sqrt %add3A_46 : vector<1x128xf32>
    %div3A_47 = vector.broadcast %sqrt3A : vector<1x128xf32> to vector<10000x128xf32>
    %div3A_48 = arith.divf %sub3A_43, %div3A_47 : vector<10000x128xf32>
    %get3A_49 = arith.constant 0 : index
    %get3A_50 = arith.constant 0 : index
    %get3A_51 = vector.load %arg6[%get3A_49, %get3A_50] : memref<1x128xf32, #tpu.memory_space<vmem>>, vector<1x128xf32>
    %mul3A_52 = vector.broadcast %get3A_51 : vector<1x128xf32> to vector<10000x128xf32>
    %mul3A_53 = arith.mulf %div3A_48, %mul3A_52 : vector<10000x128xf32>
    %get3A_54 = arith.constant 0 : index
    %get3A_55 = arith.constant 0 : index
    %get3A_56 = vector.load %arg7[%get3A_54, %get3A_55] : memref<1x128xf32, #tpu.memory_space<vmem>>, vector<1x128xf32>
    %add3A_57 = vector.broadcast %get3A_56 : vector<1x128xf32> to vector<10000x128xf32>
    %add3A_58 = arith.addf %mul3A_53, %add3A_57 : vector<10000x128xf32>
    %gt3A_59 = arith.constant 0.000000e+00 : f32
    %gt3A_60 = vector.broadcast %gt3A_59 : f32 to vector<10000x128xf32>
    %gt3A_61 = arith.cmpf ogt, %add3A_58, %gt3A_60 : vector<10000x128xf32>
    %mul3A_62 = arith.constant 0.00999999977 : f32
    %mul3A_63 = vector.broadcast %mul3A_62 : f32 to vector<10000x128xf32>
    %mul3A_64 = arith.mulf %mul3A_63, %add3A_58 : vector<10000x128xf32>
    %select_n3A_65 = arith.select %gt3A_61, %add3A_58, %mul3A_64 : vector<10000x128xi1>, vector<10000x128xf32>
    %swap3A = arith.constant 0 : index
    %swap3A_66 = arith.constant 0 : index
    %swap3A_67 = vector.load %arg8[%swap3A, %swap3A_66] : memref<10000x128xf32, #tpu.memory_space<vmem>>, vector<10000x128xf32>
    tpu.vector_store %arg8[%swap3A, %swap3A_66], %select_n3A_65 {strides = array<i32>} : memref<10000x128xf32, #tpu.memory_space<vmem>>, vector<10000x128xf32>,
    return
  }
}

module attributes {stable_mosaic.version = 14 : i64} {
  func.func @_mlp_skip_body(%arg0: memref<20480x128xf32, #tpu.memory_space<vmem>>, %arg1: memref<10000x128xf32, #tpu.memory_space<vmem>>, %arg2: memref<128x128xf32, #tpu.memory_space<vmem>>, %arg3: memref<1x128xf32, #tpu.memory_space<vmem>>, %arg4: memref<128x128xf32, #tpu.memory_space<vmem>>, %arg5: memref<1x128xf32, #tpu.memory_space<vmem>>, %arg6: memref<10000x128xf32, #tpu.memory_space<vmem>>, %arg7: memref<10000x128xf32, #tpu.memory_space<vmem>>) attributes {dimension_semantics = [], scalar_prefetch = 0 : i64, scratch_operands = 0 : i64, tpu.core_type = #tpu.core_type<tc>} {
    %get3A = arith.constant 0 : index
    %get3A_0 = arith.constant 0 : index
    %get3A_1 = vector.load %arg0[%get3A, %get3A_0] : memref<20480x128xf32, #tpu.memory_space<vmem>>, vector<10000x128xf32>
    %get3A_2 = arith.constant 10240 : index
    %get3A_3 = arith.constant 0 : index
    %get3A_4 = vector.load %arg0[%get3A_2, %get3A_3] : memref<20480x128xf32, #tpu.memory_space<vmem>>, vector<10000x128xf32>
    %add3A = arith.addf %get3A_1, %get3A_4 : vector<10000x128xf32>
    %get3A_5 = arith.constant 0 : index
    %get3A_6 = arith.constant 0 : index
    %get3A_7 = vector.load %arg1[%get3A_5, %get3A_6] : memref<10000x128xf32, #tpu.memory_space<vmem>>, vector<10000x128xf32>
    %add3A_8 = arith.addf %add3A, %get3A_7 : vector<10000x128xf32>
    %get3A_9 = arith.constant 0 : index
    %get3A_10 = arith.constant 0 : index
    %get3A_11 = vector.load %arg2[%get3A_9, %get3A_10] : memref<128x128xf32, #tpu.memory_space<vmem>>, vector<128x128xf32>
    %dot_general3A = arith.constant dense<0.000000e+00> : vector<10000x128xf32>
    %dot_general3A_12 = tpu.matmul %add3A_8, %get3A_11, %dot_general3A {dimension_numbers = #tpu.dot_dimension_numbers<[1], [0], [0], [1], [0, 0, 1, 1], [], []>, transpose_lhs_hint = false} : vector<10000x128xf32>, vector<128x128xf32>, vector<10000x128xf32> -> vector<10000x128xf32>
    %get3A_13 = arith.constant 0 : index
    %get3A_14 = arith.constant 0 : index
    %get3A_15 = vector.load %arg3[%get3A_13, %get3A_14] : memref<1x128xf32, #tpu.memory_space<vmem>>, vector<1x128xf32>
    %add3A_16 = vector.broadcast %get3A_15 : vector<1x128xf32> to vector<10000x128xf32>
    %add3A_17 = arith.addf %dot_general3A_12, %add3A_16 : vector<10000x128xf32>
    %gt3A = arith.constant 0.000000e+00 : f32
    %gt3A_18 = vector.broadcast %gt3A : f32 to vector<10000x128xf32>
    %gt3A_19 = arith.cmpf ogt, %add3A_17, %gt3A_18 : vector<10000x128xf32>
    %mul3A = arith.constant 0.00999999977 : f32
    %mul3A_20 = vector.broadcast %mul3A : f32 to vector<10000x128xf32>
    %mul3A_21 = arith.mulf %mul3A_20, %add3A_17 : vector<10000x128xf32>
    %select_n3A = arith.select %gt3A_19, %add3A_17, %mul3A_21 : vector<10000x128xi1>, vector<10000x128xf32>
    %get3A_22 = arith.constant 0 : index
    %get3A_23 = arith.constant 0 : index
    %get3A_24 = vector.load %arg4[%get3A_22, %get3A_23] : memref<128x128xf32, #tpu.memory_space<vmem>>, vector<128x128xf32>
    %dot_general3A_25 = arith.constant dense<0.000000e+00> : vector<10000x128xf32>
    %dot_general3A_26 = tpu.matmul %select_n3A, %get3A_24, %dot_general3A_25 {dimension_numbers = #tpu.dot_dimension_numbers<[1], [0], [0], [1], [0, 0, 1, 1], [], []>, transpose_lhs_hint = false} : vector<10000x128xf32>, vector<128x128xf32>, vector<10000x128xf32> -> vector<10000x128xf32>
    %get3A_27 = arith.constant 0 : index
    %get3A_28 = arith.constant 0 : index
    %get3A_29 = vector.load %arg5[%get3A_27, %get3A_28] : memref<1x128xf32, #tpu.memory_space<vmem>>, vector<1x128xf32>
    %add3A_30 = vector.broadcast %get3A_29 : vector<1x128xf32> to vector<10000x128xf32>
    %add3A_31 = arith.addf %dot_general3A_26, %add3A_30 : vector<10000x128xf32>
    %get3A_32 = arith.constant 0 : index
    %get3A_33 = arith.constant 0 : index
    %get3A_34 = vector.load %arg6[%get3A_32, %get3A_33] : memref<10000x128xf32, #tpu.memory_space<vmem>>, vector<10000x128xf32>
    %add3A_35 = arith.addf %add3A_31, %get3A_34 : vector<10000x128xf32>
    %swap3A = arith.constant 0 : index
    %swap3A_36 = arith.constant 0 : index
    %swap3A_37 = vector.load %arg7[%swap3A, %swap3A_36] : memref<10000x128xf32, #tpu.memory_space<vmem>>, vector<10000x128xf32>
    tpu.vector_store %arg7[%swap3A, %swap3A_36], %add3A_35 {strides = array<i32>} : memref<10000x128xf32, #tpu.memory_space<vmem>>, vector<10000x128xf32>,
    return
  }
}

</mosaic_0001>

<sc_bundles>
// kernel: kernel.12.cloned.1.call-start
scs
__scs_entry_jumppad:
0x0: {  	(pc) =	sbr.rel $0x88, $3  }
0x1: {  	(tag) =	ssettag $0x0;
	lr =	simm.s32 $0x1  }
0x2: {  	[smem:$0x3F8A] =	sst lr;
	_ =	strace $0xD0000000  }
0x3: {  	_ = 	snop  }
0x4: {  	_ = 	snop  }
0x5: {  	_ = 	snop  }
0x6: {  	_ = 	snop  }
0x7: {  	_ = 	snop  }
__scs_overlays_trampoline_lowered:
0x8: {  	[smem:$0x3F99] =	sst s0  }
0x9: {  	[smem:$0x3F9A] =	sst s1  }
0xa: {  	[smem:$0x3F9B] =	sst s2  }
0xb: {  	[smem:$0x3F9C] =	sst s3  }
0xc: {  	[smem:$0x3F9D] =	sst s4  }
0xd: {  	[smem:$0x3F9E] =	sst s5  }
0xe: {  	[smem:$0x3F9F] =	sst s6  }
0xf: {  	[smem:$0x3FA0] =	sst s7  }
0x10: {  	[smem:$0x3FA1] =	sst s8  }
0x11: {  	[smem:$0x3FA2] =	sst s9;
	s0 =	simm.s32 @!p0 $0x0  }
0x12: {  	s1 =	sld [smem:$0x3F88];
	s0 =	simm.s32 @p0 $0x1  }
0x13: {  	[smem:$0x3FA3] =	sst s0;
	s0 =	simm.s32 @!p1 $0x0  }
0x14: {  	s2 =	sld [smem:$0x3F87];
	s0 =	simm.s32 @p1 $0x1  }
0x15: {  	[smem:$0x3FA4] =	sst s0;
	s0 =	simm.s32 @!p2 $0x0  }
0x16: {  	s3 =	sld [smem:$0x3FDB];
	s0 =	simm.s32 @p2 $0x1  }
0x17: {  	s4 =	simm.s32 $0x1BF5;
	[smem:$0x3FA6] =	sst s0  }
0x18: {  	s0 =	sld [smem:$0x3F89];
	_ =	swait.ge [sflag:s4], $0x0  }
0x19: {  	s7 =	sld [smem:$0x3F8A]  }
0x1a: {  	s8 =	sadd.s32 $0xFFFFE003, lr  }
0x1b: {  	s9 =	sadd.s32 $0xFFFFFEF7, lr;
	s5 =	simm.s32 $0xFFFFFFFF;
	p2 =	slt.u32 s8, $0xFFFFF086  }
0x1c: {  	p1 =	slt.u32 s9, $0xF7A;
	s5 =	simm.s32 @!p2 $0x0  }
0x1d: {  	s5 =	simm.s32 @p1 $0x1;
	p0 =	seq.s32 s7, s2  }
0x1e: {  	s7 =	smul.u32 @!p0 $0xF7A, s2;
	p2 =	seq.s32 @!p0 s5, $0x0  }
0x1f: {  	s9 =	smul.u32 $0xF7A, s1;
	s8 =	simm.s32 @!p0 $0x1BF5;
	p2 =	por !p2, p0  }
0x20: {  	[sflag:s8] =	ssyncset.s32 @!p0 $0xFFFFF086;
	s6 =	sadd.s32 @!p0 s3, s7;
	s7 =	simm.s32 @!p0 $0x108  }
0x21: {  	s3 =	sadd.s32 s3, s9;
	s6 =	sadd.s32 @!p0 $0x88, s6;
	s7 =	simm.s32 @p2 $0x1082  }
0x22: {  	[simem:s7], [sflag:s8] =	dma.local @!p0 [hbm:s6], $0xF7A  }
0x23: {  	s9 =	sor.u32 $0xD0000000, s2;
	s6 =	simm.s32 $0x108;
	_ =	swait.ge @!p0 [sflag:s8], $0x0  }
0x24: {  	s3 =	sadd.s32 $0x88, s3;
	s6 =	simm.s32 @!p1 $0x1082;
	[sflag:s4] =	ssyncset.s32 $0xFFFFF086  }
0x25: {  	[simem:s6], [sflag:s4] =	dma.local [hbm:s3], $0xF7A  }
0x26: {  	[smem:$0x3F8A] =	sst s1;
	(tag) =	ssettag s2;
	_ =	strace s9  }
0x27: {  	s1 =	sld [smem:$0x3F9A]  }
0x28: {  	s2 =	sld [smem:$0x3F9B]  }
0x29: {  	s4 =	sld [smem:$0x3F9D]  }
0x2a: {  	p0 =	seq.s32 s5, $0x0;
	s5 =	sld [smem:$0x3F9E]  }
0x2b: {  	s6 =	sld [smem:$0x3F9F]  }
0x2c: {  	s7 =	sld [smem:$0x3FA0]  }
0x2d: {  	s3 =	simm.s32 $0x108;
	s8 =	sld [smem:$0x3FA1]  }
0x2e: {  	s3 =	simm.s32 @!p0 $0x1082;
	s9 =	sld [smem:$0x3FA2]  }
0x2f: {  	lr =	sadd.s32 s0, s3;
	s0 =	sld [smem:$0x3F99]  }
0x30: {  	s3 =	sld [smem:$0x3F9C]  }
0x31: {  	[smem:$0x3FA5] =	sst s10  }
0x32: {  	s10 =	sld [smem:$0x3FA3];
	_ =	sdelay $0x3  }
0x33: {  	p0 =	seq.s32 s10, $0x1;
	s10 =	sld [smem:$0x3FA5];
	_ =	sdelay $0x3  }
0x34: {  	[smem:$0x3FA5] =	sst s10  }
0x35: {  	s10 =	sld [smem:$0x3FA4];
	_ =	sdelay $0x3  }
0x36: {  	p1 =	seq.s32 s10, $0x1;
	s10 =	sld [smem:$0x3FA5];
	_ =	sdelay $0x3  }
0x37: {  	[smem:$0x3FA5] =	sst s10  }
0x38: {  	s10 =	sld [smem:$0x3FA6]  }
0x39: {  	_ = 	snop;
	(pc) =	sbr.ind lr, $3  }
0x3a: {  	_ = 	snop  }
0x3b: {  	_ = 	snop  }
0x3c: {  	p2 =	seq.s32 s10, $0x1;
	s10 =	sld [smem:$0x3FA5]  }
0x3d: {  	_ =	shalt  }
0x3e: {  	_ =	shalt  }
0x3f: {  	_ =	shalt  }
0x40: {  	_ =	shalt  }
0x41: {  	_ =	shalt  }
0x42: {  	_ =	shalt  }
0x43: {  	_ =	shalt  }
0x44: {  	_ =	shalt  }
0x45: {  	_ =	shalt  }
0x46: {  	_ =	shalt  }
0x47: {  	_ =	shalt  }
0x48: {  	_ =	shalt  }
0x49: {  	_ =	shalt  }
0x4a: {  	_ =	shalt  }
0x4b: {  	_ =	shalt  }
0x4c: {  	_ =	shalt  }
0x4d: {  	_ =	shalt  }
0x4e: {  	_ =	shalt  }
0x4f: {  	_ =	shalt  }
0x50: {  	_ =	shalt  }
0x51: {  	_ =	shalt  }
0x52: {  	_ =	shalt  }
0x53: {  	_ =	shalt  }
0x54: {  	_ =	shalt  }
0x55: {  	_ =	shalt  }
0x56: {  	_ =	shalt  }
0x57: {  	_ =	shalt  }
0x58: {  	_ =	shalt  }
0x59: {  	_ =	shalt  }
0x5a: {  	_ =	shalt  }
0x5b: {  	_ =	shalt  }
0x5c: {  	_ =	shalt  }
0x5d: {  	_ =	shalt  }
0x5e: {  	_ =	shalt  }
0x5f: {  	_ =	shalt  }
0x60: {  	_ =	shalt  }
0x61: {  	_ =	shalt  }
0x62: {  	_ =	shalt  }
0x63: {  	_ =	shalt  }
0x64: {  	_ =	shalt  }
0x65: {  	_ =	shalt  }
0x66: {  	_ =	shalt  }
0x67: {  	_ =	shalt  }
0x68: {  	_ =	shalt  }
0x69: {  	_ =	shalt  }
0x6a: {  	_ =	shalt  }
0x6b: {  	_ =	shalt  }
0x6c: {  	_ =	shalt  }
0x6d: {  	_ =	shalt  }
0x6e: {  	_ =	shalt  }
0x6f: {  	_ =	shalt  }
0x70: {  	_ =	shalt  }
0x71: {  	_ =	shalt  }
0x72: {  	_ =	shalt  }
0x73: {  	_ =	shalt  }
0x74: {  	_ =	shalt  }
0x75: {  	_ =	shalt  }
0x76: {  	_ =	shalt  }
0x77: {  	_ =	shalt  }
0x78: {  	_ =	shalt  }
0x79: {  	_ =	shalt  }
0x7a: {  	_ =	shalt  }
0x7b: {  	_ =	shalt  }
0x7c: {  	_ =	shalt  }
0x7d: {  	_ =	shalt  }
0x7e: {  	_ =	shalt  }
0x7f: {  	_ =	shalt  }
0x80: {  	_ =	shalt  }
0x81: {  	_ =	shalt  }
0x82: {  	_ =	shalt  }
0x83: {  	_ =	shalt  }
0x84: {  	_ =	shalt  }
0x85: {  	_ =	shalt  }
0x86: {  	_ =	shalt  }
0x87: {  	_ =	shalt  }
.Lfunc_end0:
.L_simem_size_0:
called_computation.1_lowered:
.L_overlay_start_0:
0x88: {  	s2 =	sld [smem:$0x3FD9]  }
0x89: {  	s3 =	sld [smem:$0x3FFE];
	_ =	sdelay $0x1  }
0x8a: {  	s1 =	srdreg.scid  }
0x8b: {  	s0 =	sand.u32 $0x1, s1  }
0x8c: {  	s17 =	sshll.u32 s0, $0xA;
	s2 =	sadd.s32 s3, s2  }
0x8d: {  	s2 =	sadd.s32 s2, s17  }
0x8e: {  	[smem:$0x3FB1] =	sst s2  }
0x8f: {  	_ = 	snop  }
0x90: {  	s2 =	sld [smem:$0x3FD0];
	(tm) =	ssettm $0x1  }
0x91: {  	s18 =	sld [smem:$0x3FFB];
	_ =	sdelay $0x3  }
0x92: {  	_ =	strace s18  }
0x93: {  	s3 =	sld [smem:$0x3FFC];
	_ =	sdelay $0x3  }
0x94: {  	_ =	strace s3  }
0x95: {  	s3 =	sld [smem:$0x3FFD];
	_ =	sdelay $0x3  }
0x96: {  	_ =	strace s3  }
0x97: {  	_ =	strace $0x8FFFFFFF  }
0x98: {  	s19 =	sld [smem:$0x3FDB];
	_ =	sdelay $0x1  }
0x99: {  	s4 =	simm.s32 $_scs_section_size  }
0x9a: {  	s5 =	simm.s32 $_size__tile_overlayer_lowered;
	s6 =	simm.s32 $_tile_overlayer_lowered  }
0x9b: {  	s22 =	simm.s32 $0x1BFF;
	s21 =	sshll.u32 s6, $0x1;
	s3 =	sadd.s32 s4, s19  }
0x9c: {  	s7 =	simm.s32 $0x0;
	s20 =	sshll.u32 s5, $0x1;
	s5 =	sadd.s32 s21, s3  }
0x9d: {  	[timem:s7], [sflag:s22] =	dma.local [hbm:s5], s20  }
0x9e: {  	_ =	swait.ge [sflag:s22], s20  }
0x9f: {  	s4 =	ssub.s32 $0x0, s20;
	[sflag:s22] =	ssyncset.done $0x0  }
0xa0: {  	[sflag:s22] =	ssyncadd.s32 s4;
	_ =	sdelay $0x1  }
0xa1: {  	s23 =	simm.s32 $0x1B8B  }
0xa2: {  	_ =	swait.ge [sflag:s23], $0x1  }
0xa3: {  	[sflag:s23] =	ssyncset.done $0x0  }
0xa4: {  	s25 =	simm.s32 $0x1B8E;
	s24 =	sld [smem:$0x3FFE];
	[sflag:s23] =	ssyncadd.s32 $0xFFFFFFFF  }
0xa5: {  	s26 =	simm.s32 $execute0_lowered;
	[smem:$0x3FD2] =	sst s25  }
0xa6: {  	s5 =	sshll.u32 s26, $0x1;
	_ =	strace $0x80000049;
	[dreg:$0x1] =	wrdreg $0xFFFFFFFF  }
0xa7: {  	s28 =	simm.s32 $_size_execute0_lowered;
	s3 =	sadd.s32 s3, s5;
	[dreg:$0x0] =	wrdreg $0x0  }
0xa8: {  	s5 =	sshll.u32 s28, $0x1;
	[dreg:$0x2] =	wrdreg s3  }
0xa9: {  	[dreg:$0x3] =	wrdreg s5  }
0xaa: {  	[dreg:$0x4] =	wrdreg $0xC0  }
0xab: {  	_ =	task [dreg:s7], $0x5FFFF  }
0xac: {  	[dreg:$0x1] =	wrdreg $0xFFFFFFFF  }
0xad: {  	[dreg:$0x0] =	wrdreg $0x60  }
0xae: {  	[dreg:$0x2] =	wrdreg s2  }
0xaf: {  	[dreg:$0x3] =	wrdreg s24  }
0xb0: {  	[dreg:$0x4] =	wrdreg $0x91000  }
0xb1: {  	[dreg:$0x5] =	wrdreg $0x9  }
0xb2: {  	_ =	task.clear_ibuf [dreg:s7], $0x6FFFF;
	_ =	strace $0x90000049  }
0xb3: {  	s29 =	simm.s32 $0x9;
	_ =	strace $0x8000004B  }
0xb4: {  	_ =	swait.ge [sflag:s29], $0x1  }
0xb5: {  	[sflag:s29] =	ssyncadd.s32 $0xFFFFFFFF  }
0xb6: {  	_ =	strace $0x9000004B  }
0xb7: {  	_ =	sfence  }
0xb8: {  	s30 =	sld [smem:$0x0];
	_ =	sdelay $0x2  }
0xb9: {  	s31 =	sshll.u32 s1, $0xD;
	s1 =	sshrl.u32 s1, $0x2  }
0xba: {  	s3 =	sand.u32 $0x4000, s31;
	s1 =	sadd.s32 s1, s30  }
0xbb: {  	s0 =	sor.u32 s3, s0;
	s1 =	sshll.u32 s1, $0x11  }
0xbc: {  	s0 =	sor.u32 s1, s0  }
0xbd: {  	s0 =	sadd.s32 $0x8F2B, s0  }
0xbe: {  	[sflag:s0] =	ssyncadd.remote.s32 $0x1  }
0xbf: {  	_ =	sfence.sel $0xFFFF  }
0xc0: {  	[dreg:$0x0] =	wrdreg $0xFFFFFFFF;
	(pc) =	sbr.abs _section_cstart, $3  }
0xc1: {  	[dreg:$0x1] =	wrdreg $0xFFFFFFFF  }
0xc2: {  	_ =	task.clear_ibuf [dreg:s7], $0x2FFFF;
	_ =	strace $0x9FFFFFFF  }
0xc3: {  	(tm) =	ssettm $0x7FFFFFFF  }
tec
execute0_lowered:
.L_overlay_start_1:
0x0: {  	(tag) =	ssettag $0x1  }
0x1: {  	s1 =	rddreg [dreg:$0x0]  }
0x2: {  	s8 =	rddreg [dreg:$0x1]  }
0x3: {  	s3 =	rddreg [dreg:$0x2]  }
0x4: {  	s0 =	rddreg [dreg:$0x3];
	s4 =	simm.s32 $0x0;
	s5 =	srdreg.scid  }
0x5: {  	s2 =	stileid.u32;
	s16 =	simm.s32 $0x5100;
	s17 =	simm.s32 $0x2  }
0x6: {  	s18 =	simm.s32 $0x80;
	s19 =	simm.s32 $0x50;
	s20 =	simm.s32 $0x100  }
0x7: {  	s21 =	simm.s32 $0x1;
	s22 =	simm.s32 $0x2900;
	[smem:$0x7FF] =	sst s4  }
0x8: {  	s9 =	sand.u32 $0x1, s5;
	s10 =	smul.u32 $0x2800, s2;
	s5 =	sadd.s32 $0xA2BA00, s8  }
0x9: {  	s6 =	sadd.s32 $0xDC00, s8;
	s12 =	smul.u32 $0x50000, s2;
	s7 =	sadd.s32 $0x3E00, s8  }
0xa: {  	s31 =	sshll.u32 s2, $0x1;
	s11 =	smul.u32 $0x28000, s9;
	s28 =	ssub.s32 $0x2, s9  }
0xb: {  	_ =	strace $0x8000004A;
	s13 =	sor.u32 s9, s31;
	s29 =	sshrl.u32 s28, $0x1  }
0xc: {  	s30 =	sshrl.u32 s12, $0x2;
	s13 =	smul.u32 $0x2710, s13;
	s10 =	sadd.s32 s10, s11  }
0xd: {  	s15 =	ssub.s32 s28, s29;
	s14 =	sadd.s32 s10, s8;
	s8 =	sadd.s32 s30, s3  }
0xe: {  	s15 =	smax.u32 s15, $0x1;
	s9 =	sadd.s32 $0x4000, s8;
	s10 =	sadd.s32 $0x8000, s8  }
0xf: {  	v0 =	vimm.f32 $0.0e+00;
	s11 =	sadd.s32 $0xC000, s8;
	s12 =	sadd.s32 $0x10000, s8;
	s14 =	sadd.s32 $0x17A00, s14  }
.LBB2_1:
0x10: {  	s23 =	simm.s32 $0x0;
	s24 =	simm.s32 $0x200  }
.LBB2_2:
0x11: {  	p0 =	sne.s32 s24, $0xFE00;
	[tilespmem:s23+$0x5170] =	vst v0  }
0x12: {  	[tilespmem:s23+$0x5100] =	vst v0  }
0x13: {  	[tilespmem:s23+$0x5110] =	vst v0  }
.Ltmp0:
0x14: {  	[tilespmem:s23+$0x5120] =	vst v0;
	(pc) =	sbr.rel @p0 .LBB2_2-.Ltmp0, $4  }
0x15: {  	[tilespmem:s23+$0x5130] =	vst v0  }
0x16: {  	[tilespmem:s23+$0x5140] =	vst v0  }
0x17: {  	[tilespmem:s23+$0x5150] =	vst v0  }
0x18: {  	[tilespmem:s23+$0x5160] =	vst v0;
	s23 =	sshra.s32 s24, $0x2;
	s24 =	sadd.s32 $0x200, s24  }
0x19: {  	[tilespmem:s23+$0x5170] =	vst v0  }
0x1a: {  	[tilespmem:s23+$0x5100] =	vst v0  }
0x1b: {  	[tilespmem:s23+$0x5110] =	vst v0  }
0x1c: {  	[tilespmem:s23+$0x5120] =	vst v0  }
0x1d: {  	[tilespmem:s23+$0x5130] =	vst v0  }
0x1e: {  	[tilespmem:s23+$0x5140] =	vst v0  }
0x1f: {  	[tilespmem:s23+$0x5150] =	vst v0  }
0x20: {  	[tilespmem:s23+$0x5160] =	vst v0  }
0x21: {  	[spmem:s8] =	stream.linear.scatter [tilespmem:s16], [sflag:$0x2], $0x4000, $0x38;
	[tilespmem:$0x1D100] =	vst v63  }
0x22: {  	_ =	swait.ge [sflag:s17], $0x4000  }
0x23: {  	[sflag:s17] =	ssyncset.done $0x0  }
0x24: {  	[sflag:s17] =	ssyncadd.s32 $0xFFFFC000  }
0x25: {  	[spmem:s9] =	stream.linear.scatter [tilespmem:s16], [sflag:$0x2], $0x4000, $0x38;
	[tilespmem:$0x1D100] =	vst v63  }
0x26: {  	_ =	swait.ge [sflag:s17], $0x4000  }
0x27: {  	[sflag:s17] =	ssyncset.done $0x0  }
0x28: {  	[sflag:s17] =	ssyncadd.s32 $0xFFFFC000  }
0x29: {  	[spmem:s10] =	stream.linear.scatter [tilespmem:s16], [sflag:$0x2], $0x4000, $0x38;
	[tilespmem:$0x1D100] =	vst v63  }
0x2a: {  	_ =	swait.ge [sflag:s17], $0x4000  }
0x2b: {  	[sflag:s17] =	ssyncset.done $0x0  }
0x2c: {  	[sflag:s17] =	ssyncadd.s32 $0xFFFFC000  }
0x2d: {  	[spmem:s11] =	stream.linear.scatter [tilespmem:s16], [sflag:$0x2], $0x4000, $0x38;
	[tilespmem:$0x1D100] =	vst v63  }
0x2e: {  	_ =	swait.ge [sflag:s17], $0x4000  }
0x2f: {  	[sflag:s17] =	ssyncset.done $0x0  }
0x30: {  	[sflag:s17] =	ssyncadd.s32 $0xFFFFC000  }
0x31: {  	[spmem:s12] =	stream.linear.scatter [tilespmem:s16], [sflag:$0x2], $0x4000, $0x38;
	[tilespmem:$0x1D100] =	vst v63  }
0x32: {  	_ =	swait.ge [sflag:s17], $0x4000  }
0x33: {  	[sflag:s17] =	ssyncset.done $0x0  }
0x34: {  	[sflag:s17] =	ssyncadd.s32 $0xFFFFC000  }
0x35: {  	s23 =	simm.s32 $0x0;
	s24 =	simm.s32 $0x0;
	[bflag:$0x0] =	sbarrier.arrive $0xFFFF  }
.LBB2_4:
0x36: {  	s25 =	smul.u32 $0x50, s24;
	_ =	sdelay $0x1  }
0x37: {  	s25 =	sadd.s32 s13, s25  }
0x38: {  	s26 =	sshrl.u32 s25, $0x3  }
0x39: {  	s28 =	sadd.s32 s6, s26  }
0x3a: {  	[tilespmem:s23], [sflag:$0x2] =	stream.linear.gather [hbm4b:s28+s23], $0x50, $0x38;
	[tilespmem:$0x1D100] =	vst v63  }
0x3b: {  	_ =	swait.ge [sflag:s17], $0x50  }
0x3c: {  	[sflag:s17] =	ssyncset.done $0x0  }
0x3d: {  	s26 =	sadd.s32 s7, s26;
	[sflag:s17] =	ssyncadd.s32 $0xFFFFFFB0  }
0x3e: {  	[tilespmem:s18], [sflag:$0x2] =	stream.linear.gather [hbm4b:s26+s23], $0x50, $0x38;
	[tilespmem:$0x1D100] =	vst v63  }
0x3f: {  	_ =	swait.ge [sflag:s17], $0x50  }
0x40: {  	[sflag:s17] =	ssyncset.done $0x0  }
0x41: {  	[sflag:s17] =	ssyncadd.s32 $0xFFFFFFB0  }
0x42: {  	[tilespmem:s20], [sflag:$0x1] =	stream.indirect.gather [hbm4b:s1+s19], $0x80, s23, s19, $0xb8;
	[tilespmem:$0x1D100] =	vst v63  }
0x43: {  	_ =	swait.ge [sflag:s21], $0x2800  }
0x44: {  	s25 =	sshll.u32 s25, $0x4;
	[sflag:s21] =	ssyncset.done $0x0  }
0x45: {  	s25 =	sadd.s32 s5, s25;
	[sflag:s21] =	ssyncadd.s32 $0xFFFFD800  }
0x46: {  	[tilespmem:s22], [sflag:$0x2] =	stream.linear.gather [hbm4b:s25+s23], $0x2800, $0x38;
	[tilespmem:$0x1D100] =	vst v63  }
0x47: {  	_ =	swait.ge [sflag:s17], $0x2800  }
0x48: {  	[sflag:s17] =	ssyncset.done $0x0  }
0x49: {  	s25 =	simm.s32 $0x0;
	[sflag:s17] =	ssyncadd.s32 $0xFFFFD800  }
0x4a: {  	v8 =	vld [tilespmem:s25+$0x100]  }
0x4b: {  	v12 =	vld [tilespmem:s25+$0x110]  }
0x4c: {  	v6 =	vld [tilespmem:s25+$0x120]  }
0x4d: {  	v5 =	vld [tilespmem:s25+$0x130]  }
0x4e: {  	v4 =	vld [tilespmem:s25+$0x140]  }
0x4f: {  	v3 =	vld [tilespmem:s25+$0x150]  }
0x50: {  	v2 =	vld [tilespmem:s25+$0x160]  }
0x51: {  	v1 =	vld [tilespmem:s25+$0x170]  }
0x52: {  	v13 =	vld [tilespmem:s25+$0x2900]  }
0x53: {  	v14 =	vld [tilespmem:s25+$0x2910]  }
0x54: {  	v11 =	vld [tilespmem:s25+$0x2920]  }
0x55: {  	v10 =	vld [tilespmem:s25+$0x2930]  }
0x56: {  	v9 =	vld [tilespmem:s25+$0x2940]  }
0x57: {  	v7 =	vld [tilespmem:s25+$0x2950];
	v13 =	vmul.f32 v8, v13  }
0x58: {  	s26 =	simm.s32 $0x200;
	v12 =	vmul.f32 v12, v14;
	v8 =	vld [tilespmem:s25+$0x2960]  }
.LBB2_5:
0x59: {  	s28 =	sshra.s32 s26, $0x2;
	p0 =	sne.s32 s26, $0x9E00;
	[tilespmem:s25+$0x2900] =	vst v13;
	v6 =	vmul.f32 v6, v11;
	v11 =	vld [tilespmem:s25+$0x2970]  }
0x5a: {  	v13 =	vld [tilespmem:s28+$0x100];
	[tilespmem:s25+$0x2910] =	vst v12;
	v5 =	vmul.f32 v5, v10  }
0x5b: {  	v12 =	vld [tilespmem:s28+$0x110];
	[tilespmem:s25+$0x2920] =	vst v6;
	v4 =	vmul.f32 v4, v9  }
0x5c: {  	v6 =	vld [tilespmem:s28+$0x120];
	[tilespmem:s25+$0x2930] =	vst v5;
	v3 =	vmul.f32 v3, v7  }
0x5d: {  	v5 =	vld [tilespmem:s28+$0x130];
	[tilespmem:s25+$0x2940] =	vst v4;
	v2 =	vmul.f32 v2, v8  }
0x5e: {  	v4 =	vld [tilespmem:s28+$0x140];
	[tilespmem:s25+$0x2950] =	vst v3;
	v1 =	vmul.f32 v1, v11  }
0x5f: {  	v3 =	vld [tilespmem:s28+$0x150];
	[tilespmem:s25+$0x2960] =	vst v2  }
0x60: {  	v2 =	vld [tilespmem:s28+$0x160];
	[tilespmem:s25+$0x2970] =	vst v1;
	s25 =	smov.u32 s28  }
0x61: {  	v1 =	vld [tilespmem:s25+$0x170]  }
0x62: {  	v7 =	vld [tilespmem:s25+$0x2900]  }
0x63: {  	v8 =	vld [tilespmem:s25+$0x2910]  }
.Ltmp1:
0x64: {  	v11 =	vld [tilespmem:s25+$0x2920];
	(pc) =	sbr.rel @p0 .LBB2_5-.Ltmp1, $4  }
0x65: {  	v10 =	vld [tilespmem:s25+$0x2930]  }
0x66: {  	v9 =	vld [tilespmem:s25+$0x2940]  }
0x67: {  	v13 =	vmul.f32 v13, v7;
	v7 =	vld [tilespmem:s25+$0x2950]  }
0x68: {  	s26 =	sadd.s32 $0x200, s26;
	v12 =	vmul.f32 v12, v8;
	v8 =	vld [tilespmem:s25+$0x2960]  }
0x69: {  	[tilespmem:s25+$0x2900] =	vst v13;
	v6 =	vmul.f32 v6, v11;
	v63 =	vld [tilespmem:s25+$0x2970]  }
0x6a: {  	[tilespmem:s25+$0x2910] =	vst v12;
	v5 =	vmul.f32 v5, v10  }
0x6b: {  	[tilespmem:s25+$0x2920] =	vst v6;
	v4 =	vmul.f32 v4, v9  }
0x6c: {  	[tilespmem:s25+$0x2930] =	vst v5;
	v3 =	vmul.f32 v3, v7  }
0x6d: {  	[tilespmem:s25+$0x2940] =	vst v4;
	v2 =	vmul.f32 v2, v8  }
0x6e: {  	s24 =	sadd.s32 $0x1, s24;
	[tilespmem:s25+$0x2950] =	vst v3;
	v1 =	vmul.f32 v1, v63  }
0x6f: {  	p0 =	sne.s32 s24, $0x7D;
	[tilespmem:s25+$0x2960] =	vst v2  }
.Ltmp2:
0x70: {  	[tilespmem:s25+$0x2970] =	vst v1;
	(pc) =	sbr.rel @p0 .LBB2_4-.Ltmp2, $4  }
0x71: {  	[spmem:s3] =	stream.indirect.scatter.add.f32 [tilespmem:s22], [sflag:$0x2], $0x80, s18, s19, $0xb8;
	[tilespmem:$0x1D100] =	vst v63  }
0x72: {  	_ =	swait.ge [sflag:s17], $0x2800  }
0x73: {  	[sflag:s17] =	ssyncset.done $0x0  }
0x74: {  	[sflag:s17] =	ssyncadd.s32 $0xFFFFD800  }
0x75: {  	s4 =	sadd.s32 $0x1, s4  }
0x76: {  	s23 =	sshll.u32 s2, $0x6;
	[bflag:$0x0] =	sbarrier.arrive $0xFFFF;
	p0 =	sne.s32 s4, s15  }
.Ltmp3:
0x77: {  	s24 =	sshrl.u32 s8, $0x3;
	s23 =	sor.u32 $0x1C02, s23;
	(pc) =	sbr.rel @p0 .LBB2_1-.Ltmp3, $4  }
0x78: {  	[hbm:s14], [sflag:s23] =	dma.local [spmem:s24], $0x2800  }
0x79: {  	_ =	swait.ge [sflag:s17], $0x2800  }
0x7a: {  	[sflag:s17] =	ssyncset.done $0x0  }
0x7b: {  	[sflag:s17] =	ssyncadd.s32 $0xFFFFD800  }
0x7c: {  	_ =	sfence.sel $0x180000  }
0x7d: {  	[bflag:$0x0] =	sbarrier.arrive $0xFFFF  }
0x7e: {  	p0 =	sne.s32 s2, $0x0;
	_ =	strace $0x9000004A  }
0x7f: {  	s0 =	sadd.s32 @!p0 $0x100000, s0;
	[bflag:$0x2] =	sbarrier.arrive $0xFFFF  }
0x80: {  	[sflag:s0] =	ssyncadd.tile.s32 @!p0 $0x1;
	_ =	shalt  }
.Lfunc_end2:
_tile_overlayer_lowered:
.L_overlay_start_2:
0x81: {  	(tag) =	ssettag $0x2  }
0x82: {  	s0 =	rddreg [dreg:$0x0];
	s2 =	stileid.u32  }
0x83: {  	s1 =	rddreg [dreg:$0x1];
	p0 =	sne.s32 s2, $0x0  }
0x84: {  	s3 =	rddreg [dreg:$0x2];
	[bflag:$0x3] =	sbarrier.arrive $0xFFFF;
	s2 =	simm.s32 @!p0 $0x1C02  }
0x85: {  	[timem:s3], [sflag:s2] =	dma.local @!p0 [hbm:s0], s1  }
0x86: {  	s0 =	simm.s32 @!p0 $0x2  }
0x87: {  	_ =	swait.ge @!p0 [sflag:s0], s1  }
0x88: {  	s1 =	ssub.s32 @!p0 $0x0, s1;
	[sflag:s0] =	ssyncset.done @!p0 $0x0  }
0x89: {  	[sflag:s0] =	ssyncadd.s32 @!p0 s1  }
0x8a: {  	[bflag:$0x3] =	sbarrier.arrive $0xFFFF  }
0x8b: {  	_ =	shalt  }

// kernel: kernel.9.cloned.1.call-start
scs
__scs_entry_jumppad:
0x0: {  	(pc) =	sbr.rel $0x88, $3  }
0x1: {  	(tag) =	ssettag $0x0;
	lr =	simm.s32 $0x1  }
0x2: {  	[smem:$0x3F8A] =	sst lr;
	_ =	strace $0xD0000000  }
0x3: {  	_ = 	snop  }
0x4: {  	_ = 	snop  }
0x5: {  	_ = 	snop  }
0x6: {  	_ = 	snop  }
0x7: {  	_ = 	snop  }
__scs_overlays_trampoline_lowered:
0x8: {  	[smem:$0x3F99] =	sst s0  }
0x9: {  	[smem:$0x3F9A] =	sst s1  }
0xa: {  	[smem:$0x3F9B] =	sst s2  }
0xb: {  	[smem:$0x3F9C] =	sst s3  }
0xc: {  	[smem:$0x3F9D] =	sst s4  }
0xd: {  	[smem:$0x3F9E] =	sst s5  }
0xe: {  	[smem:$0x3F9F] =	sst s6  }
0xf: {  	[smem:$0x3FA0] =	sst s7  }
0x10: {  	[smem:$0x3FA1] =	sst s8  }
0x11: {  	[smem:$0x3FA2] =	sst s9;
	s0 =	simm.s32 @!p0 $0x0  }
0x12: {  	s1 =	sld [smem:$0x3F88];
	s0 =	simm.s32 @p0 $0x1  }
0x13: {  	[smem:$0x3FA3] =	sst s0;
	s0 =	simm.s32 @!p1 $0x0  }
0x14: {  	s2 =	sld [smem:$0x3F87];
	s0 =	simm.s32 @p1 $0x1  }
0x15: {  	[smem:$0x3FA4] =	sst s0;
	s0 =	simm.s32 @!p2 $0x0  }
0x16: {  	s3 =	sld [smem:$0x3FDB];
	s0 =	simm.s32 @p2 $0x1  }
0x17: {  	s4 =	simm.s32 $0x1BF5;
	[smem:$0x3FA6] =	sst s0  }
0x18: {  	s0 =	sld [smem:$0x3F89];
	_ =	swait.ge [sflag:s4], $0x0  }
0x19: {  	s7 =	sld [smem:$0x3F8A]  }
0x1a: {  	s8 =	sadd.s32 $0xFFFFE003, lr  }
0x1b: {  	s9 =	sadd.s32 $0xFFFFFEF7, lr;
	s5 =	simm.s32 $0xFFFFFFFF;
	p2 =	slt.u32 s8, $0xFFFFF086  }
0x1c: {  	p1 =	slt.u32 s9, $0xF7A;
	s5 =	simm.s32 @!p2 $0x0  }
0x1d: {  	s5 =	simm.s32 @p1 $0x1;
	p0 =	seq.s32 s7, s2  }
0x1e: {  	s7 =	smul.u32 @!p0 $0xF7A, s2;
	p2 =	seq.s32 @!p0 s5, $0x0  }
0x1f: {  	s9 =	smul.u32 $0xF7A, s1;
	s8 =	simm.s32 @!p0 $0x1BF5;
	p2 =	por !p2, p0  }
0x20: {  	[sflag:s8] =	ssyncset.s32 @!p0 $0xFFFFF086;
	s6 =	sadd.s32 @!p0 s3, s7;
	s7 =	simm.s32 @!p0 $0x108  }
0x21: {  	s3 =	sadd.s32 s3, s9;
	s6 =	sadd.s32 @!p0 $0x88, s6;
	s7 =	simm.s32 @p2 $0x1082  }
0x22: {  	[simem:s7], [sflag:s8] =	dma.local @!p0 [hbm:s6], $0xF7A  }
0x23: {  	s9 =	sor.u32 $0xD0000000, s2;
	s6 =	simm.s32 $0x108;
	_ =	swait.ge @!p0 [sflag:s8], $0x0  }
0x24: {  	s3 =	sadd.s32 $0x88, s3;
	s6 =	simm.s32 @!p1 $0x1082;
	[sflag:s4] =	ssyncset.s32 $0xFFFFF086  }
0x25: {  	[simem:s6], [sflag:s4] =	dma.local [hbm:s3], $0xF7A  }
0x26: {  	[smem:$0x3F8A] =	sst s1;
	(tag) =	ssettag s2;
	_ =	strace s9  }
0x27: {  	s1 =	sld [smem:$0x3F9A]  }
0x28: {  	s2 =	sld [smem:$0x3F9B]  }
0x29: {  	s4 =	sld [smem:$0x3F9D]  }
0x2a: {  	p0 =	seq.s32 s5, $0x0;
	s5 =	sld [smem:$0x3F9E]  }
0x2b: {  	s6 =	sld [smem:$0x3F9F]  }
0x2c: {  	s7 =	sld [smem:$0x3FA0]  }
0x2d: {  	s3 =	simm.s32 $0x108;
	s8 =	sld [smem:$0x3FA1]  }
0x2e: {  	s3 =	simm.s32 @!p0 $0x1082;
	s9 =	sld [smem:$0x3FA2]  }
0x2f: {  	lr =	sadd.s32 s0, s3;
	s0 =	sld [smem:$0x3F99]  }
0x30: {  	s3 =	sld [smem:$0x3F9C]  }
0x31: {  	[smem:$0x3FA5] =	sst s10  }
0x32: {  	s10 =	sld [smem:$0x3FA3];
	_ =	sdelay $0x3  }
0x33: {  	p0 =	seq.s32 s10, $0x1;
	s10 =	sld [smem:$0x3FA5];
	_ =	sdelay $0x3  }
0x34: {  	[smem:$0x3FA5] =	sst s10  }
0x35: {  	s10 =	sld [smem:$0x3FA4];
	_ =	sdelay $0x3  }
0x36: {  	p1 =	seq.s32 s10, $0x1;
	s10 =	sld [smem:$0x3FA5];
	_ =	sdelay $0x3  }
0x37: {  	[smem:$0x3FA5] =	sst s10  }
0x38: {  	s10 =	sld [smem:$0x3FA6]  }
0x39: {  	_ = 	snop;
	(pc) =	sbr.ind lr, $3  }
0x3a: {  	_ = 	snop  }
0x3b: {  	_ = 	snop  }
0x3c: {  	p2 =	seq.s32 s10, $0x1;
	s10 =	sld [smem:$0x3FA5]  }
0x3d: {  	_ =	shalt  }
0x3e: {  	_ =	shalt  }
0x3f: {  	_ =	shalt  }
0x40: {  	_ =	shalt  }
0x41: {  	_ =	shalt  }
0x42: {  	_ =	shalt  }
0x43: {  	_ =	shalt  }
0x44: {  	_ =	shalt  }
0x45: {  	_ =	shalt  }
0x46: {  	_ =	shalt  }
0x47: {  	_ =	shalt  }
0x48: {  	_ =	shalt  }
0x49: {  	_ =	shalt  }
0x4a: {  	_ =	shalt  }
0x4b: {  	_ =	shalt  }
0x4c: {  	_ =	shalt  }
0x4d: {  	_ =	shalt  }
0x4e: {  	_ =	shalt  }
0x4f: {  	_ =	shalt  }
0x50: {  	_ =	shalt  }
0x51: {  	_ =	shalt  }
0x52: {  	_ =	shalt  }
0x53: {  	_ =	shalt  }
0x54: {  	_ =	shalt  }
0x55: {  	_ =	shalt  }
0x56: {  	_ =	shalt  }
0x57: {  	_ =	shalt  }
0x58: {  	_ =	shalt  }
0x59: {  	_ =	shalt  }
0x5a: {  	_ =	shalt  }
0x5b: {  	_ =	shalt  }
0x5c: {  	_ =	shalt  }
0x5d: {  	_ =	shalt  }
0x5e: {  	_ =	shalt  }
0x5f: {  	_ =	shalt  }
0x60: {  	_ =	shalt  }
0x61: {  	_ =	shalt  }
0x62: {  	_ =	shalt  }
0x63: {  	_ =	shalt  }
0x64: {  	_ =	shalt  }
0x65: {  	_ =	shalt  }
0x66: {  	_ =	shalt  }
0x67: {  	_ =	shalt  }
0x68: {  	_ =	shalt  }
0x69: {  	_ =	shalt  }
0x6a: {  	_ =	shalt  }
0x6b: {  	_ =	shalt  }
0x6c: {  	_ =	shalt  }
0x6d: {  	_ =	shalt  }
0x6e: {  	_ =	shalt  }
0x6f: {  	_ =	shalt  }
0x70: {  	_ =	shalt  }
0x71: {  	_ =	shalt  }
0x72: {  	_ =	shalt  }
0x73: {  	_ =	shalt  }
0x74: {  	_ =	shalt  }
0x75: {  	_ =	shalt  }
0x76: {  	_ =	shalt  }
0x77: {  	_ =	shalt  }
0x78: {  	_ =	shalt  }
0x79: {  	_ =	shalt  }
0x7a: {  	_ =	shalt  }
0x7b: {  	_ =	shalt  }
0x7c: {  	_ =	shalt  }
0x7d: {  	_ =	shalt  }
0x7e: {  	_ =	shalt  }
0x7f: {  	_ =	shalt  }
0x80: {  	_ =	shalt  }
0x81: {  	_ =	shalt  }
0x82: {  	_ =	shalt  }
0x83: {  	_ =	shalt  }
0x84: {  	_ =	shalt  }
0x85: {  	_ =	shalt  }
0x86: {  	_ =	shalt  }
0x87: {  	_ =	shalt  }
.Lfunc_end0:
.L_simem_size_0:
called_computation_lowered:
.L_overlay_start_0:
0x88: {  	s2 =	sld [smem:$0x3FD9]  }
0x89: {  	s3 =	sld [smem:$0x3FFE];
	_ =	sdelay $0x1  }
0x8a: {  	s1 =	srdreg.scid  }
0x8b: {  	s0 =	sand.u32 $0x1, s1  }
0x8c: {  	s17 =	sshll.u32 s0, $0xA;
	s2 =	sadd.s32 s3, s2  }
0x8d: {  	s2 =	sadd.s32 s2, s17  }
0x8e: {  	[smem:$0x3FB1] =	sst s2  }
0x8f: {  	_ = 	snop  }
0x90: {  	s2 =	sld [smem:$0x3FD0];
	(tm) =	ssettm $0x1  }
0x91: {  	s18 =	sld [smem:$0x3FFB];
	_ =	sdelay $0x3  }
0x92: {  	_ =	strace s18  }
0x93: {  	s3 =	sld [smem:$0x3FFC];
	_ =	sdelay $0x3  }
0x94: {  	_ =	strace s3  }
0x95: {  	s3 =	sld [smem:$0x3FFD];
	_ =	sdelay $0x3  }
0x96: {  	_ =	strace s3  }
0x97: {  	_ =	strace $0x8FFFFFFF  }
0x98: {  	s19 =	sld [smem:$0x3FDB];
	_ =	sdelay $0x1  }
0x99: {  	s4 =	simm.s32 $_scs_section_size  }
0x9a: {  	s5 =	simm.s32 $_size__tile_overlayer_lowered;
	s6 =	simm.s32 $_tile_overlayer_lowered  }
0x9b: {  	s22 =	simm.s32 $0x1BFF;
	s21 =	sshll.u32 s6, $0x1;
	s3 =	sadd.s32 s4, s19  }
0x9c: {  	s7 =	simm.s32 $0x0;
	s20 =	sshll.u32 s5, $0x1;
	s5 =	sadd.s32 s21, s3  }
0x9d: {  	[timem:s7], [sflag:s22] =	dma.local [hbm:s5], s20  }
0x9e: {  	_ =	swait.ge [sflag:s22], s20  }
0x9f: {  	s4 =	ssub.s32 $0x0, s20;
	[sflag:s22] =	ssyncset.done $0x0  }
0xa0: {  	[sflag:s22] =	ssyncadd.s32 s4;
	_ =	sdelay $0x1  }
0xa1: {  	s23 =	simm.s32 $0x1B8B  }
0xa2: {  	_ =	swait.ge [sflag:s23], $0x1  }
0xa3: {  	[sflag:s23] =	ssyncset.done $0x0  }
0xa4: {  	s25 =	simm.s32 $0x1B8E;
	s24 =	sld [smem:$0x3FFE];
	[sflag:s23] =	ssyncadd.s32 $0xFFFFFFFF  }
0xa5: {  	s26 =	simm.s32 $execute0_lowered;
	[smem:$0x3FD2] =	sst s25  }
0xa6: {  	s5 =	sshll.u32 s26, $0x1;
	_ =	strace $0x80000046;
	[dreg:$0x1] =	wrdreg $0xFFFFFFFF  }
0xa7: {  	s28 =	simm.s32 $_size_execute0_lowered;
	s3 =	sadd.s32 s3, s5;
	[dreg:$0x0] =	wrdreg $0x0  }
0xa8: {  	s5 =	sshll.u32 s28, $0x1;
	[dreg:$0x2] =	wrdreg s3  }
0xa9: {  	[dreg:$0x3] =	wrdreg s5  }
0xaa: {  	[dreg:$0x4] =	wrdreg $0xC0  }
0xab: {  	_ =	task [dreg:s7], $0x5FFFF  }
0xac: {  	[dreg:$0x1] =	wrdreg $0xFFFFFFFF  }
0xad: {  	[dreg:$0x0] =	wrdreg $0x60  }
0xae: {  	[dreg:$0x2] =	wrdreg s2  }
0xaf: {  	[dreg:$0x3] =	wrdreg s24  }
0xb0: {  	[dreg:$0x4] =	wrdreg $0x91000  }
0xb1: {  	[dreg:$0x5] =	wrdreg $0x9  }
0xb2: {  	_ =	task.clear_ibuf [dreg:s7], $0x6FFFF;
	_ =	strace $0x90000046  }
0xb3: {  	s29 =	simm.s32 $0x9;
	_ =	strace $0x80000048  }
0xb4: {  	_ =	swait.ge [sflag:s29], $0x1  }
0xb5: {  	[sflag:s29] =	ssyncadd.s32 $0xFFFFFFFF  }
0xb6: {  	_ =	strace $0x90000048  }
0xb7: {  	_ =	sfence  }
0xb8: {  	s30 =	sld [smem:$0x0];
	_ =	sdelay $0x2  }
0xb9: {  	s31 =	sshll.u32 s1, $0xD;
	s1 =	sshrl.u32 s1, $0x2  }
0xba: {  	s3 =	sand.u32 $0x4000, s31;
	s1 =	sadd.s32 s1, s30  }
0xbb: {  	s0 =	sor.u32 s3, s0;
	s1 =	sshll.u32 s1, $0x11  }
0xbc: {  	s0 =	sor.u32 s1, s0  }
0xbd: {  	s0 =	sadd.s32 $0x8F2B, s0  }
0xbe: {  	[sflag:s0] =	ssyncadd.remote.s32 $0x1  }
0xbf: {  	_ =	sfence.sel $0xFFFF  }
0xc0: {  	[dreg:$0x0] =	wrdreg $0xFFFFFFFF;
	(pc) =	sbr.abs _section_cstart, $3  }
0xc1: {  	[dreg:$0x1] =	wrdreg $0xFFFFFFFF  }
0xc2: {  	_ =	task.clear_ibuf [dreg:s7], $0x2FFFF;
	_ =	strace $0x9FFFFFFF  }
0xc3: {  	(tm) =	ssettm $0x7FFFFFFF  }
tec
execute0_lowered:
.L_overlay_start_1:
0x0: {  	(tag) =	ssettag $0x1  }
0x1: {  	s1 =	rddreg [dreg:$0x0]  }
0x2: {  	s8 =	rddreg [dreg:$0x1]  }
0x3: {  	s3 =	rddreg [dreg:$0x2]  }
0x4: {  	s0 =	rddreg [dreg:$0x3];
	s4 =	simm.s32 $0x0;
	s5 =	srdreg.scid  }
0x5: {  	s2 =	stileid.u32;
	s16 =	simm.s32 $0x5100;
	s17 =	simm.s32 $0x2  }
0x6: {  	s18 =	simm.s32 $0x80;
	s19 =	simm.s32 $0x50;
	s20 =	simm.s32 $0x100  }
0x7: {  	s21 =	simm.s32 $0x1;
	s22 =	simm.s32 $0x2900;
	[smem:$0x7FF] =	sst s4  }
0x8: {  	s9 =	sand.u32 $0x1, s5;
	s10 =	smul.u32 $0x2800, s2;
	s5 =	sadd.s32 $0x4F9A00, s8  }
0x9: {  	s6 =	sadd.s32 $0xDC00, s8;
	s12 =	smul.u32 $0x50000, s2;
	s7 =	sadd.s32 $0x3E00, s8  }
0xa: {  	s31 =	sshll.u32 s2, $0x1;
	s11 =	smul.u32 $0x28000, s9;
	s28 =	ssub.s32 $0x2, s9  }
0xb: {  	_ =	strace $0x80000047;
	s13 =	sor.u32 s9, s31;
	s29 =	sshrl.u32 s28, $0x1  }
0xc: {  	s30 =	sshrl.u32 s12, $0x2;
	s13 =	smul.u32 $0x2710, s13;
	s10 =	sadd.s32 s10, s11  }
0xd: {  	s15 =	ssub.s32 s28, s29;
	s14 =	sadd.s32 s10, s8;
	s8 =	sadd.s32 s30, s3  }
0xe: {  	s15 =	smax.u32 s15, $0x1;
	s9 =	sadd.s32 $0x4000, s8;
	s10 =	sadd.s32 $0x8000, s8  }
0xf: {  	v0 =	vimm.f32 $0.0e+00;
	s11 =	sadd.s32 $0xC000, s8;
	s12 =	sadd.s32 $0x10000, s8;
	s14 =	sadd.s32 $0x9DBA00, s14  }
.LBB2_1:
0x10: {  	s23 =	simm.s32 $0x0;
	s24 =	simm.s32 $0x200  }
.LBB2_2:
0x11: {  	p0 =	sne.s32 s24, $0xFE00;
	[tilespmem:s23+$0x5170] =	vst v0  }
0x12: {  	[tilespmem:s23+$0x5100] =	vst v0  }
0x13: {  	[tilespmem:s23+$0x5110] =	vst v0  }
.Ltmp0:
0x14: {  	[tilespmem:s23+$0x5120] =	vst v0;
	(pc) =	sbr.rel @p0 .LBB2_2-.Ltmp0, $4  }
0x15: {  	[tilespmem:s23+$0x5130] =	vst v0  }
0x16: {  	[tilespmem:s23+$0x5140] =	vst v0  }
0x17: {  	[tilespmem:s23+$0x5150] =	vst v0  }
0x18: {  	[tilespmem:s23+$0x5160] =	vst v0;
	s23 =	sshra.s32 s24, $0x2;
	s24 =	sadd.s32 $0x200, s24  }
0x19: {  	[tilespmem:s23+$0x5170] =	vst v0  }
0x1a: {  	[tilespmem:s23+$0x5100] =	vst v0  }
0x1b: {  	[tilespmem:s23+$0x5110] =	vst v0  }
0x1c: {  	[tilespmem:s23+$0x5120] =	vst v0  }
0x1d: {  	[tilespmem:s23+$0x5130] =	vst v0  }
0x1e: {  	[tilespmem:s23+$0x5140] =	vst v0  }
0x1f: {  	[tilespmem:s23+$0x5150] =	vst v0  }
0x20: {  	[tilespmem:s23+$0x5160] =	vst v0  }
0x21: {  	[spmem:s8] =	stream.linear.scatter [tilespmem:s16], [sflag:$0x2], $0x4000, $0x38;
	[tilespmem:$0x1D100] =	vst v63  }
0x22: {  	_ =	swait.ge [sflag:s17], $0x4000  }
0x23: {  	[sflag:s17] =	ssyncset.done $0x0  }
0x24: {  	[sflag:s17] =	ssyncadd.s32 $0xFFFFC000  }
0x25: {  	[spmem:s9] =	stream.linear.scatter [tilespmem:s16], [sflag:$0x2], $0x4000, $0x38;
	[tilespmem:$0x1D100] =	vst v63  }
0x26: {  	_ =	swait.ge [sflag:s17], $0x4000  }
0x27: {  	[sflag:s17] =	ssyncset.done $0x0  }
0x28: {  	[sflag:s17] =	ssyncadd.s32 $0xFFFFC000  }
0x29: {  	[spmem:s10] =	stream.linear.scatter [tilespmem:s16], [sflag:$0x2], $0x4000, $0x38;
	[tilespmem:$0x1D100] =	vst v63  }
0x2a: {  	_ =	swait.ge [sflag:s17], $0x4000  }
0x2b: {  	[sflag:s17] =	ssyncset.done $0x0  }
0x2c: {  	[sflag:s17] =	ssyncadd.s32 $0xFFFFC000  }
0x2d: {  	[spmem:s11] =	stream.linear.scatter [tilespmem:s16], [sflag:$0x2], $0x4000, $0x38;
	[tilespmem:$0x1D100] =	vst v63  }
0x2e: {  	_ =	swait.ge [sflag:s17], $0x4000  }
0x2f: {  	[sflag:s17] =	ssyncset.done $0x0  }
0x30: {  	[sflag:s17] =	ssyncadd.s32 $0xFFFFC000  }
0x31: {  	[spmem:s12] =	stream.linear.scatter [tilespmem:s16], [sflag:$0x2], $0x4000, $0x38;
	[tilespmem:$0x1D100] =	vst v63  }
0x32: {  	_ =	swait.ge [sflag:s17], $0x4000  }
0x33: {  	[sflag:s17] =	ssyncset.done $0x0  }
0x34: {  	[sflag:s17] =	ssyncadd.s32 $0xFFFFC000  }
0x35: {  	s23 =	simm.s32 $0x0;
	s24 =	simm.s32 $0x0;
	[bflag:$0x0] =	sbarrier.arrive $0xFFFF  }
.LBB2_4:
0x36: {  	s25 =	smul.u32 $0x50, s24;
	_ =	sdelay $0x1  }
0x37: {  	s25 =	sadd.s32 s13, s25  }
0x38: {  	s26 =	sshrl.u32 s25, $0x3  }
0x39: {  	s28 =	sadd.s32 s6, s26  }
0x3a: {  	[tilespmem:s23], [sflag:$0x2] =	stream.linear.gather [hbm4b:s28+s23], $0x50, $0x38;
	[tilespmem:$0x1D100] =	vst v63  }
0x3b: {  	_ =	swait.ge [sflag:s17], $0x50  }
0x3c: {  	[sflag:s17] =	ssyncset.done $0x0  }
0x3d: {  	s26 =	sadd.s32 s7, s26;
	[sflag:s17] =	ssyncadd.s32 $0xFFFFFFB0  }
0x3e: {  	[tilespmem:s18], [sflag:$0x2] =	stream.linear.gather [hbm4b:s26+s23], $0x50, $0x38;
	[tilespmem:$0x1D100] =	vst v63  }
0x3f: {  	_ =	swait.ge [sflag:s17], $0x50  }
0x40: {  	[sflag:s17] =	ssyncset.done $0x0  }
0x41: {  	[sflag:s17] =	ssyncadd.s32 $0xFFFFFFB0  }
0x42: {  	[tilespmem:s20], [sflag:$0x1] =	stream.indirect.gather [hbm4b:s1+s19], $0x80, s23, s19, $0xb8;
	[tilespmem:$0x1D100] =	vst v63  }
0x43: {  	_ =	swait.ge [sflag:s21], $0x2800  }
0x44: {  	s25 =	sshll.u32 s25, $0x4;
	[sflag:s21] =	ssyncset.done $0x0  }
0x45: {  	s25 =	sadd.s32 s5, s25;
	[sflag:s21] =	ssyncadd.s32 $0xFFFFD800  }
0x46: {  	[tilespmem:s22], [sflag:$0x2] =	stream.linear.gather [hbm4b:s25+s23], $0x2800, $0x38;
	[tilespmem:$0x1D100] =	vst v63  }
0x47: {  	_ =	swait.ge [sflag:s17], $0x2800  }
0x48: {  	[sflag:s17] =	ssyncset.done $0x0  }
0x49: {  	s25 =	simm.s32 $0x0;
	[sflag:s17] =	ssyncadd.s32 $0xFFFFD800  }
0x4a: {  	v8 =	vld [tilespmem:s25+$0x100]  }
0x4b: {  	v12 =	vld [tilespmem:s25+$0x110]  }
0x4c: {  	v6 =	vld [tilespmem:s25+$0x120]  }
0x4d: {  	v5 =	vld [tilespmem:s25+$0x130]  }
0x4e: {  	v4 =	vld [tilespmem:s25+$0x140]  }
0x4f: {  	v3 =	vld [tilespmem:s25+$0x150]  }
0x50: {  	v2 =	vld [tilespmem:s25+$0x160]  }
0x51: {  	v1 =	vld [tilespmem:s25+$0x170]  }
0x52: {  	v13 =	vld [tilespmem:s25+$0x2900]  }
0x53: {  	v14 =	vld [tilespmem:s25+$0x2910]  }
0x54: {  	v11 =	vld [tilespmem:s25+$0x2920]  }
0x55: {  	v10 =	vld [tilespmem:s25+$0x2930]  }
0x56: {  	v9 =	vld [tilespmem:s25+$0x2940]  }
0x57: {  	v7 =	vld [tilespmem:s25+$0x2950];
	v13 =	vmul.f32 v8, v13  }
0x58: {  	s26 =	simm.s32 $0x200;
	v12 =	vmul.f32 v12, v14;
	v8 =	vld [tilespmem:s25+$0x2960]  }
.LBB2_5:
0x59: {  	s28 =	sshra.s32 s26, $0x2;
	p0 =	sne.s32 s26, $0x9E00;
	[tilespmem:s25+$0x2900] =	vst v13;
	v6 =	vmul.f32 v6, v11;
	v11 =	vld [tilespmem:s25+$0x2970]  }
0x5a: {  	v13 =	vld [tilespmem:s28+$0x100];
	[tilespmem:s25+$0x2910] =	vst v12;
	v5 =	vmul.f32 v5, v10  }
0x5b: {  	v12 =	vld [tilespmem:s28+$0x110];
	[tilespmem:s25+$0x2920] =	vst v6;
	v4 =	vmul.f32 v4, v9  }
0x5c: {  	v6 =	vld [tilespmem:s28+$0x120];
	[tilespmem:s25+$0x2930] =	vst v5;
	v3 =	vmul.f32 v3, v7  }
0x5d: {  	v5 =	vld [tilespmem:s28+$0x130];
	[tilespmem:s25+$0x2940] =	vst v4;
	v2 =	vmul.f32 v2, v8  }
0x5e: {  	v4 =	vld [tilespmem:s28+$0x140];
	[tilespmem:s25+$0x2950] =	vst v3;
	v1 =	vmul.f32 v1, v11  }
0x5f: {  	v3 =	vld [tilespmem:s28+$0x150];
	[tilespmem:s25+$0x2960] =	vst v2  }
0x60: {  	v2 =	vld [tilespmem:s28+$0x160];
	[tilespmem:s25+$0x2970] =	vst v1;
	s25 =	smov.u32 s28  }
0x61: {  	v1 =	vld [tilespmem:s25+$0x170]  }
0x62: {  	v7 =	vld [tilespmem:s25+$0x2900]  }
0x63: {  	v8 =	vld [tilespmem:s25+$0x2910]  }
.Ltmp1:
0x64: {  	v11 =	vld [tilespmem:s25+$0x2920];
	(pc) =	sbr.rel @p0 .LBB2_5-.Ltmp1, $4  }
0x65: {  	v10 =	vld [tilespmem:s25+$0x2930]  }
0x66: {  	v9 =	vld [tilespmem:s25+$0x2940]  }
0x67: {  	v13 =	vmul.f32 v13, v7;
	v7 =	vld [tilespmem:s25+$0x2950]  }
0x68: {  	s26 =	sadd.s32 $0x200, s26;
	v12 =	vmul.f32 v12, v8;
	v8 =	vld [tilespmem:s25+$0x2960]  }
0x69: {  	[tilespmem:s25+$0x2900] =	vst v13;
	v6 =	vmul.f32 v6, v11;
	v63 =	vld [tilespmem:s25+$0x2970]  }
0x6a: {  	[tilespmem:s25+$0x2910] =	vst v12;
	v5 =	vmul.f32 v5, v10  }
0x6b: {  	[tilespmem:s25+$0x2920] =	vst v6;
	v4 =	vmul.f32 v4, v9  }
0x6c: {  	[tilespmem:s25+$0x2930] =	vst v5;
	v3 =	vmul.f32 v3, v7  }
0x6d: {  	[tilespmem:s25+$0x2940] =	vst v4;
	v2 =	vmul.f32 v2, v8  }
0x6e: {  	s24 =	sadd.s32 $0x1, s24;
	[tilespmem:s25+$0x2950] =	vst v3;
	v1 =	vmul.f32 v1, v63  }
0x6f: {  	p0 =	sne.s32 s24, $0x7D;
	[tilespmem:s25+$0x2960] =	vst v2  }
.Ltmp2:
0x70: {  	[tilespmem:s25+$0x2970] =	vst v1;
	(pc) =	sbr.rel @p0 .LBB2_4-.Ltmp2, $4  }
0x71: {  	[spmem:s3] =	stream.indirect.scatter.add.f32 [tilespmem:s22], [sflag:$0x2], $0x80, s18, s19, $0xb8;
	[tilespmem:$0x1D100] =	vst v63  }
0x72: {  	_ =	swait.ge [sflag:s17], $0x2800  }
0x73: {  	[sflag:s17] =	ssyncset.done $0x0  }
0x74: {  	[sflag:s17] =	ssyncadd.s32 $0xFFFFD800  }
0x75: {  	s4 =	sadd.s32 $0x1, s4  }
0x76: {  	s23 =	sshll.u32 s2, $0x6;
	[bflag:$0x0] =	sbarrier.arrive $0xFFFF;
	p0 =	sne.s32 s4, s15  }
.Ltmp3:
0x77: {  	s24 =	sshrl.u32 s8, $0x3;
	s23 =	sor.u32 $0x1C02, s23;
	(pc) =	sbr.rel @p0 .LBB2_1-.Ltmp3, $4  }
0x78: {  	[hbm:s14], [sflag:s23] =	dma.local [spmem:s24], $0x2800  }
0x79: {  	_ =	swait.ge [sflag:s17], $0x2800  }
0x7a: {  	[sflag:s17] =	ssyncset.done $0x0  }
0x7b: {  	[sflag:s17] =	ssyncadd.s32 $0xFFFFD800  }
0x7c: {  	_ =	sfence.sel $0x180000  }
0x7d: {  	[bflag:$0x0] =	sbarrier.arrive $0xFFFF  }
0x7e: {  	p0 =	sne.s32 s2, $0x0;
	_ =	strace $0x90000047  }
0x7f: {  	s0 =	sadd.s32 @!p0 $0x100000, s0;
	[bflag:$0x2] =	sbarrier.arrive $0xFFFF  }
0x80: {  	[sflag:s0] =	ssyncadd.tile.s32 @!p0 $0x1;
	_ =	shalt  }
.Lfunc_end2:
_tile_overlayer_lowered:
.L_overlay_start_2:
0x81: {  	(tag) =	ssettag $0x2  }
0x82: {  	s0 =	rddreg [dreg:$0x0];
	s2 =	stileid.u32  }
0x83: {  	s1 =	rddreg [dreg:$0x1];
	p0 =	sne.s32 s2, $0x0  }
0x84: {  	s3 =	rddreg [dreg:$0x2];
	[bflag:$0x3] =	sbarrier.arrive $0xFFFF;
	s2 =	simm.s32 @!p0 $0x1C02  }
0x85: {  	[timem:s3], [sflag:s2] =	dma.local @!p0 [hbm:s0], s1  }
0x86: {  	s0 =	simm.s32 @!p0 $0x2  }
0x87: {  	_ =	swait.ge @!p0 [sflag:s0], s1  }
0x88: {  	s1 =	ssub.s32 @!p0 $0x0, s1;
	[sflag:s0] =	ssyncset.done @!p0 $0x0  }
0x89: {  	[sflag:s0] =	ssyncadd.s32 @!p0 s1  }
0x8a: {  	[bflag:$0x3] =	sbarrier.arrive $0xFFFF  }
0x8b: {  	_ =	shalt  }

</sc_bundles>
